<compile_context>
chip_gen: v7x
topology: tpu7x:2x2x1
jax: 0.10.2.dev20260603
libtpu: 0.0.44.dev20260713+nightly
codegen_flags: <defaults>
</compile_context>

<pallas_src>
import jax
import jax.numpy as jnp
from jax import lax
from jax.experimental import pallas as pl
from jax.experimental.pallas import tpu as pltpu
from jax.experimental.pallas import tpu_sc as plsc

NC, NS, L = 2, 16, 16
NW = NC * NS
B, S, D = 4, 2048, 1024
ROWS = B * S
RPW = ROWS // NW
WPB = S // RPW
CH = 8
NCH = RPW // CH
VPR = D // L
NBUF = 4
NGRP = NCH // NBUF
SKEW = 3


def _sc_body(x_hbm, idx_hbm, pe_hbm, out_hbm, idx_v, *bufs_and_sems):
    x_v = bufs_and_sems[0:NBUF]
    pe_v = bufs_and_sems[NBUF : 2 * NBUF]
    xsem = bufs_and_sems[2 * NBUF : 3 * NBUF]
    gsem = bufs_and_sems[3 * NBUF : 4 * NBUF]
    osem = bufs_and_sems[4 * NBUF : 5 * NBUF]

    wid = lax.axis_index("s") * NC + lax.axis_index("c")
    bb = wid // WPB
    s0 = (wid % WPB) * RPW
    pltpu.sync_copy(idx_hbm.at[bb, pl.ds(s0, RPW)], idx_v)

    def issue_in(c, b):
        pltpu.async_copy(x_hbm.at[bb, pl.ds(s0 + c * CH, CH)], x_v[b], xsem[b])
        pltpu.async_copy(pe_hbm.at[idx_v.at[pl.ds(c * CH, CH)]], pe_v[b], gsem[b])

    def wait_in(b):
        pltpu.make_async_copy(x_hbm.at[0, pl.ds(0, CH)], x_v[b], xsem[b]).wait()
        pltpu.make_async_copy(
            pe_hbm.at[idx_v.at[pl.ds(0, CH)]], pe_v[b], gsem[b]
        ).wait()

    def wait_out(b):
        pltpu.make_async_copy(out_hbm.at[0, pl.ds(0, CH)], x_v[b], osem[b]).wait()

    for b in range(NBUF):
        issue_in(b, b)

    def group(g, carry):
        for b in range(NBUF):
            c = g * NBUF + b
            b2 = (b + SKEW) % NBUF

            @pl.when(jnp.logical_and(c >= NBUF - SKEW, c <= NCH - 1 - SKEW))
            def _refill():
                wait_out(b2)
                issue_in(c + SKEW, b2)

            wait_in(b)

            xb = x_v[b]
            pb = pe_v[b]

            @plsc.parallel_loop(0, CH * VPR, 1, unroll=8)
            def _add(i):
                r = i // VPR
                j = (i % VPR) * L
                plsc.addupdate(xb.at[r, pl.ds(j, L)], pb[r, pl.ds(j, L)])

            pltpu.async_copy(
                x_v[b], out_hbm.at[bb, pl.ds(s0 + c * CH, CH)], osem[b]
            )
        return carry

    lax.fori_loop(0, NGRP, group, 0)

    for b in range(NBUF):
        wait_out(b)


@jax.jit
def _sc_call(x, rel_times, pe):
    mesh = plsc.VectorSubcoreMesh(
        core_axis_name="c", subcore_axis_name="s", num_cores=NC, num_subcores=NS
    )
    scratch = (
        [pltpu.VMEM((RPW,), jnp.int32)]
        + [pltpu.VMEM((CH, D), jnp.float32) for _ in range(2 * NBUF)]
        + [pltpu.SemaphoreType.DMA for _ in range(3 * NBUF)]
    )
    return pl.kernel(
        _sc_body,
        out_type=jax.ShapeDtypeStruct((B, S, D), jnp.float32),
        mesh=mesh,
        scratch_types=scratch,
    )(x, rel_times, pe)


def kernel(x, rel_times, pe):
    return _sc_call(x, rel_times.astype(jnp.int32), pe)

# --- scband reference (transcript-rebuilt; emitter-appended) ---
"""Pipeline reference for scband-temporal-positional-encoding-61297773248617 (READ-ONLY COPY).

The authoritative reference and input builder live on the scoring server;
editing this copy changes nothing except your own understanding.
"""

import jax, jax.numpy as jnp
import numpy as np

D_MODEL = 1024
MAX_LEN = 5000
B, S = 4, 2048


def _build_pe(max_len: int, d_model: int) -> jnp.ndarray:
    position = jnp.arange(max_len, dtype=jnp.float32)[:, None]
    div_term = jnp.exp(jnp.arange(0, d_model, 2, dtype=jnp.float32) * (-np.log(10000.0) / d_model))
    pe = jnp.zeros((max_len, d_model), dtype=jnp.float32)
    pe = pe.at[:, ::2].set(jnp.sin(position * div_term))
    pe = pe.at[:, 1::2].set(jnp.cos(position * div_term))
    return pe


def setup_inputs(seed: int = 0) -> dict:
    key = jax.random.key(seed)
    k1, k2 = jax.random.split(key)
    x = jax.random.normal(k1, (B, S, D_MODEL), dtype=jnp.float32)
    rel_times = jax.random.randint(k2, (B, S), 0, MAX_LEN, dtype=jnp.int64 if jax.config.jax_enable_x64 else jnp.int32)
    pe = _build_pe(MAX_LEN, D_MODEL)
    return {"x": x, "rel_times": rel_times, "pe": pe}


def reference(x, rel_times, pe):
    # pe has logical shape [1, max_len, d_model] in the torch module (after permute);
    # pe[0, rel_times, :] == gather rows of the [max_len, d_model] table.
    pos = jnp.take(pe, rel_times, axis=0)  # [B, S, d_model]
    out = x + pos
    # dropout p=0.0 -> identity (inference/eval semantics)
    return out

if __name__ == "__main__":
    import jax
    _d = setup_inputs()
    print(jax.jit(kernel)(*tuple(_d.values())))

</pallas_src>

<mosaic_0001>
#map = affine_map<(d0, d1) -> (0, 0, 0)>
#map1 = affine_map<(d0, d1) -> (0, 0)>
module attributes {stable_mosaic.version = 14 : i64} {
  func.func @_sc_body(%arg0: i32, %arg1: i32, %arg2: memref<4x2048x1024xf32, #tpu.memory_space<hbm>>, %arg3: memref<4x2048xi32, #tpu.memory_space<hbm>>, %arg4: memref<5000x1024xf32, #tpu.memory_space<hbm>>, %arg5: memref<4x2048x1024xf32, #tpu.memory_space<hbm>>, %arg6: memref<256xi32, #tpu.memory_space<vmem>>, %arg7: memref<8x1024xf32, #tpu.memory_space<vmem>>, %arg8: memref<8x1024xf32, #tpu.memory_space<vmem>>, %arg9: memref<8x1024xf32, #tpu.memory_space<vmem>>, %arg10: memref<8x1024xf32, #tpu.memory_space<vmem>>, %arg11: memref<8x1024xf32, #tpu.memory_space<vmem>>, %arg12: memref<8x1024xf32, #tpu.memory_space<vmem>>, %arg13: memref<8x1024xf32, #tpu.memory_space<vmem>>, %arg14: memref<8x1024xf32, #tpu.memory_space<vmem>>, %arg15: memref<!tpu.dma_semaphore, #tpu.memory_space<semaphore_mem>>, %arg16: memref<!tpu.dma_semaphore, #tpu.memory_space<semaphore_mem>>, %arg17: memref<!tpu.dma_semaphore, #tpu.memory_space<semaphore_mem>>, %arg18: memref<!tpu.dma_semaphore, #tpu.memory_space<semaphore_mem>>, %arg19: memref<!tpu.dma_semaphore, #tpu.memory_space<semaphore_mem>>, %arg20: memref<!tpu.dma_semaphore, #tpu.memory_space<semaphore_mem>>, %arg21: memref<!tpu.dma_semaphore, #tpu.memory_space<semaphore_mem>>, %arg22: memref<!tpu.dma_semaphore, #tpu.memory_space<semaphore_mem>>, %arg23: memref<!tpu.dma_semaphore, #tpu.memory_space<semaphore_mem>>, %arg24: memref<!tpu.dma_semaphore, #tpu.memory_space<semaphore_mem>>, %arg25: memref<!tpu.dma_semaphore, #tpu.memory_space<semaphore_mem>>, %arg26: memref<!tpu.dma_semaphore, #tpu.memory_space<semaphore_mem>>) attributes {dimension_semantics = [#tpu.dimension_semantics<core_parallel>, #tpu.dimension_semantics<subcore_parallel>], iteration_bounds = array<i64: 2, 16>, scalar_prefetch = 0 : i64, scratch_operands = 21 : i64, tpu.core_type = #tpu.core_type<sc_vector_subcore>, window_params = [{transform_indices = #map}, {transform_indices = #map1}, {transform_indices = #map1}, {transform_indices = #map}]} {
    %mul3A = arith.constant 2 : i32
    %mul3A_0 = arith.muli %arg1, %mul3A : i32
    %add3A = arith.addi %mul3A_0, %arg0 : i32
    %jit3A = arith.constant 8 : i32
    %div3A = arith.divsi %add3A, %jit3A : i32
    %sign3A = arith.constant 0 : i32
    %sign3A_1 = arith.cmpi sgt, %add3A, %sign3A : i32
    %sign3A_2 = arith.extui %sign3A_1 : i1 to i32
    %sign3A_3 = arith.constant 0 : i32
    %sign3A_4 = arith.cmpi slt, %add3A, %sign3A_3 : i32
    %sign3A_5 = arith.extui %sign3A_4 : i1 to i32
    %sign3A_6 = arith.subi %sign3A_2, %sign3A_5 : i32
    %sign3A_7 = arith.constant 0 : i32
    %sign3A_8 = arith.cmpi sgt, %jit3A, %sign3A_7 : i32
    %sign3A_9 = arith.extui %sign3A_8 : i1 to i32
    %sign3A_10 = arith.constant 0 : i32
    %sign3A_11 = arith.cmpi slt, %jit3A, %sign3A_10 : i32
    %sign3A_12 = arith.extui %sign3A_11 : i1 to i32
    %sign3A_13 = arith.subi %sign3A_9, %sign3A_12 : i32
    %ne3A = arith.cmpi ne, %sign3A_6, %sign3A_13 : i32
    %rem3A = arith.remsi %add3A, %jit3A : i32
    %ne3A_14 = arith.constant 0 : i32
    %ne3A_15 = arith.cmpi ne, %rem3A, %ne3A_14 : i32
    %and3A = arith.andi %ne3A, %ne3A_15 : i1
    %sub3A = arith.constant 1 : i32
    %sub3A_16 = arith.subi %div3A, %sub3A : i32
    %select_n3A = arith.select %and3A, %sub3A_16, %div3A : i32
    %jit3A_17 = arith.constant 8 : i32
    %eq3A = arith.constant 0 : i32
    %eq3A_18 = arith.cmpi eq, %jit3A_17, %eq3A : i32
    %jit3A_19 = arith.constant 1 : i32
    %select_n3A_20 = arith.select %eq3A_18, %jit3A_19, %jit3A_17 : i32
    %rem3A_21 = arith.remsi %add3A, %select_n3A_20 : i32
    %ne3A_22 = arith.constant 0 : i32
    %ne3A_23 = arith.cmpi ne, %rem3A_21, %ne3A_22 : i32
    %lt3A = arith.constant 0 : i32
    %lt3A_24 = arith.cmpi slt, %rem3A_21, %lt3A : i32
    %lt3A_25 = arith.constant 0 : i32
    %lt3A_26 = arith.cmpi slt, %select_n3A_20, %lt3A_25 : i32
    %ne3A_27 = arith.xori %lt3A_24, %lt3A_26 : i1
    %and3A_28 = arith.andi %ne3A_27, %ne3A_23 : i1
    %add3A_29 = arith.addi %rem3A_21, %select_n3A_20 : i32
    %select_n3A_30 = arith.select %and3A_28, %add3A_29, %rem3A_21 : i32
    %mul3A_31 = arith.constant 256 : i32
    %mul3A_32 = arith.muli %select_n3A_30, %mul3A_31 : i32
    "tpu.region"() ({
      %run_scoped3A = tpu.sem_alloc : memref<!tpu.dma_semaphore, #tpu.memory_space<semaphore_mem>>
      %dma_start3A_124 = tpu.memref_slice %arg3[%select_n3A, %mul3A_32] : memref<4x2048xi32, #tpu.memory_space<hbm>> -> memref<1x256xi32, #tpu.memory_space<hbm>>
      %dma_start3A_125 = tpu.memref_squeeze %dma_start3A_124 : memref<1x256xi32, #tpu.memory_space<hbm>> -> memref<256xi32, #tpu.memory_space<hbm>>
      %dma_start3A_126 = tpu.memref_slice %arg3[%select_n3A, %mul3A_32] : memref<4x2048xi32, #tpu.memory_space<hbm>> -> memref<1x256xi32, #tpu.memory_space<hbm>>
      %dma_start3A_127 = tpu.memref_squeeze %dma_start3A_126 : memref<1x256xi32, #tpu.memory_space<hbm>> -> memref<256xi32, #tpu.memory_space<hbm>>
      tpu.enqueue_dma source(%dma_start3A_127 : memref<256xi32, #tpu.memory_space<hbm>>) target(%arg6 : memref<256xi32, #tpu.memory_space<vmem>>) target_semaphore(%run_scoped3A : memref<!tpu.dma_semaphore, #tpu.memory_space<semaphore_mem>>)
      %dma_wait3A_128 = tpu.memref_slice %arg3[%select_n3A, %mul3A_32] : memref<4x2048xi32, #tpu.memory_space<hbm>> -> memref<1x256xi32, #tpu.memory_space<hbm>>
      %dma_wait3A_129 = tpu.memref_squeeze %dma_wait3A_128 : memref<1x256xi32, #tpu.memory_space<hbm>> -> memref<256xi32, #tpu.memory_space<hbm>>
      %dma_wait3A_130 = tpu.memref_slice %arg3[%select_n3A, %mul3A_32] : memref<4x2048xi32, #tpu.memory_space<hbm>> -> memref<1x256xi32, #tpu.memory_space<hbm>>
      %dma_wait3A_131 = tpu.memref_squeeze %dma_wait3A_130 : memref<1x256xi32, #tpu.memory_space<hbm>> -> memref<256xi32, #tpu.memory_space<hbm>>
      tpu.wait_dma2 semaphore(%run_scoped3A : memref<!tpu.dma_semaphore, #tpu.memory_space<semaphore_mem>>) src(%dma_wait3A_131 : memref<256xi32, #tpu.memory_space<hbm>>) dst(%arg6 : memref<256xi32, #tpu.memory_space<vmem>>)
      tpu.yield
    }) : () -> ()
    %add3A_33 = arith.constant 0 : i32
    %add3A_34 = arith.addi %mul3A_32, %add3A_33 : i32
    %dma_start3A = arith.constant 0 : i32
    %dma_start3A_35 = tpu.memref_slice %arg2[%select_n3A, %add3A_34, %dma_start3A] : memref<4x2048x1024xf32, #tpu.memory_space<hbm>> -> memref<1x8x1024xf32, #tpu.memory_space<hbm>>
    %dma_start3A_36 = tpu.memref_squeeze %dma_start3A_35 : memref<1x8x1024xf32, #tpu.memory_space<hbm>> -> memref<8x1024xf32, #tpu.memory_space<hbm>>
    %dma_start3A_37 = arith.constant 0 : i32
    %dma_start3A_38 = tpu.memref_slice %arg2[%select_n3A, %add3A_34, %dma_start3A_37] : memref<4x2048x1024xf32, #tpu.memory_space<hbm>> -> memref<1x8x1024xf32, #tpu.memory_space<hbm>>
    %dma_start3A_39 = tpu.memref_squeeze %dma_start3A_38 : memref<1x8x1024xf32, #tpu.memory_space<hbm>> -> memref<8x1024xf32, #tpu.memory_space<hbm>>
    tpu.enqueue_dma source(%dma_start3A_39 : memref<8x1024xf32, #tpu.memory_space<hbm>>) target(%arg7 : memref<8x1024xf32, #tpu.memory_space<vmem>>) target_semaphore(%arg15 : memref<!tpu.dma_semaphore, #tpu.memory_space<semaphore_mem>>)
    %dma_start3A_40 = arith.constant 0 : i32
    %dma_start3A_41 = tpu.memref_slice %arg6[%dma_start3A_40] : memref<256xi32, #tpu.memory_space<vmem>> -> memref<8xi32, #tpu.memory_space<vmem>>
    %dma_start3A_42 = arith.constant 0 : i32
    %dma_start3A_43 = arith.constant 0 : i32
    %dma_start3A_44 = tpu.memref_slice %arg4[%dma_start3A_42, %dma_start3A_43] : memref<5000x1024xf32, #tpu.memory_space<hbm>> -> memref<5000x1024xf32, #tpu.memory_space<hbm>>
    tpu.enqueue_indirect_dma source(%dma_start3A_44 : memref<5000x1024xf32, #tpu.memory_space<hbm>>) target(%arg11 : memref<8x1024xf32, #tpu.memory_space<vmem>>) offsets(%dma_start3A_41 : memref<8xi32, #tpu.memory_space<vmem>>) semaphore(%arg19 : memref<!tpu.dma_semaphore, #tpu.memory_space<semaphore_mem>>)
    %add3A_45 = arith.constant 8 : i32
    %add3A_46 = arith.addi %mul3A_32, %add3A_45 : i32
    %dma_start3A_47 = arith.constant 0 : i32
    %dma_start3A_48 = tpu.memref_slice %arg2[%select_n3A, %add3A_46, %dma_start3A_47] : memref<4x2048x1024xf32, #tpu.memory_space<hbm>> -> memref<1x8x1024xf32, #tpu.memory_space<hbm>>
    %dma_start3A_49 = tpu.memref_squeeze %dma_start3A_48 : memref<1x8x1024xf32, #tpu.memory_space<hbm>> -> memref<8x1024xf32, #tpu.memory_space<hbm>>
    %dma_start3A_50 = arith.constant 0 : i32
    %dma_start3A_51 = tpu.memref_slice %arg2[%select_n3A, %add3A_46, %dma_start3A_50] : memref<4x2048x1024xf32, #tpu.memory_space<hbm>> -> memref<1x8x1024xf32, #tpu.memory_space<hbm>>
    %dma_start3A_52 = tpu.memref_squeeze %dma_start3A_51 : memref<1x8x1024xf32, #tpu.memory_space<hbm>> -> memref<8x1024xf32, #tpu.memory_space<hbm>>
    tpu.enqueue_dma source(%dma_start3A_52 : memref<8x1024xf32, #tpu.memory_space<hbm>>) target(%arg8 : memref<8x1024xf32, #tpu.memory_space<vmem>>) target_semaphore(%arg16 : memref<!tpu.dma_semaphore, #tpu.memory_space<semaphore_mem>>)
    %dma_start3A_53 = arith.constant 8 : i32
    %dma_start3A_54 = tpu.memref_slice %arg6[%dma_start3A_53] : memref<256xi32, #tpu.memory_space<vmem>> -> memref<8xi32, #tpu.memory_space<vmem>>
    %dma_start3A_55 = arith.constant 0 : i32
    %dma_start3A_56 = arith.constant 0 : i32
    %dma_start3A_57 = tpu.memref_slice %arg4[%dma_start3A_55, %dma_start3A_56] : memref<5000x1024xf32, #tpu.memory_space<hbm>> -> memref<5000x1024xf32, #tpu.memory_space<hbm>>
    tpu.enqueue_indirect_dma source(%dma_start3A_57 : memref<5000x1024xf32, #tpu.memory_space<hbm>>) target(%arg12 : memref<8x1024xf32, #tpu.memory_space<vmem>>) offsets(%dma_start3A_54 : memref<8xi32, #tpu.memory_space<vmem>>) semaphore(%arg20 : memref<!tpu.dma_semaphore, #tpu.memory_space<semaphore_mem>>)
    %add3A_58 = arith.constant 16 : i32
    %add3A_59 = arith.addi %mul3A_32, %add3A_58 : i32
    %dma_start3A_60 = arith.constant 0 : i32
    %dma_start3A_61 = tpu.memref_slice %arg2[%select_n3A, %add3A_59, %dma_start3A_60] : memref<4x2048x1024xf32, #tpu.memory_space<hbm>> -> memref<1x8x1024xf32, #tpu.memory_space<hbm>>
    %dma_start3A_62 = tpu.memref_squeeze %dma_start3A_61 : memref<1x8x1024xf32, #tpu.memory_space<hbm>> -> memref<8x1024xf32, #tpu.memory_space<hbm>>
    %dma_start3A_63 = arith.constant 0 : i32
    %dma_start3A_64 = tpu.memref_slice %arg2[%select_n3A, %add3A_59, %dma_start3A_63] : memref<4x2048x1024xf32, #tpu.memory_space<hbm>> -> memref<1x8x1024xf32, #tpu.memory_space<hbm>>
    %dma_start3A_65 = tpu.memref_squeeze %dma_start3A_64 : memref<1x8x1024xf32, #tpu.memory_space<hbm>> -> memref<8x1024xf32, #tpu.memory_space<hbm>>
    tpu.enqueue_dma source(%dma_start3A_65 : memref<8x1024xf32, #tpu.memory_space<hbm>>) target(%arg9 : memref<8x1024xf32, #tpu.memory_space<vmem>>) target_semaphore(%arg17 : memref<!tpu.dma_semaphore, #tpu.memory_space<semaphore_mem>>)
    %dma_start3A_66 = arith.constant 16 : i32
    %dma_start3A_67 = tpu.memref_slice %arg6[%dma_start3A_66] : memref<256xi32, #tpu.memory_space<vmem>> -> memref<8xi32, #tpu.memory_space<vmem>>
    %dma_start3A_68 = arith.constant 0 : i32
    %dma_start3A_69 = arith.constant 0 : i32
    %dma_start3A_70 = tpu.memref_slice %arg4[%dma_start3A_68, %dma_start3A_69] : memref<5000x1024xf32, #tpu.memory_space<hbm>> -> memref<5000x1024xf32, #tpu.memory_space<hbm>>
    tpu.enqueue_indirect_dma source(%dma_start3A_70 : memref<5000x1024xf32, #tpu.memory_space<hbm>>) target(%arg13 : memref<8x1024xf32, #tpu.memory_space<vmem>>) offsets(%dma_start3A_67 : memref<8xi32, #tpu.memory_space<vmem>>) semaphore(%arg21 : memref<!tpu.dma_semaphore, #tpu.memory_space<semaphore_mem>>)
    %add3A_71 = arith.constant 24 : i32
    %add3A_72 = arith.addi %mul3A_32, %add3A_71 : i32
    %dma_start3A_73 = arith.constant 0 : i32
    %dma_start3A_74 = tpu.memref_slice %arg2[%select_n3A, %add3A_72, %dma_start3A_73] : memref<4x2048x1024xf32, #tpu.memory_space<hbm>> -> memref<1x8x1024xf32, #tpu.memory_space<hbm>>
    %dma_start3A_75 = tpu.memref_squeeze %dma_start3A_74 : memref<1x8x1024xf32, #tpu.memory_space<hbm>> -> memref<8x1024xf32, #tpu.memory_space<hbm>>
    %dma_start3A_76 = arith.constant 0 : i32
    %dma_start3A_77 = tpu.memref_slice %arg2[%select_n3A, %add3A_72, %dma_start3A_76] : memref<4x2048x1024xf32, #tpu.memory_space<hbm>> -> memref<1x8x1024xf32, #tpu.memory_space<hbm>>
    %dma_start3A_78 = tpu.memref_squeeze %dma_start3A_77 : memref<1x8x1024xf32, #tpu.memory_space<hbm>> -> memref<8x1024xf32, #tpu.memory_space<hbm>>
    tpu.enqueue_dma source(%dma_start3A_78 : memref<8x1024xf32, #tpu.memory_space<hbm>>) target(%arg10 : memref<8x1024xf32, #tpu.memory_space<vmem>>) target_semaphore(%arg18 : memref<!tpu.dma_semaphore, #tpu.memory_space<semaphore_mem>>)
    %dma_start3A_79 = arith.constant 24 : i32
    %dma_start3A_80 = tpu.memref_slice %arg6[%dma_start3A_79] : memref<256xi32, #tpu.memory_space<vmem>> -> memref<8xi32, #tpu.memory_space<vmem>>
    %dma_start3A_81 = arith.constant 0 : i32
    %dma_start3A_82 = arith.constant 0 : i32
    %dma_start3A_83 = tpu.memref_slice %arg4[%dma_start3A_81, %dma_start3A_82] : memref<5000x1024xf32, #tpu.memory_space<hbm>> -> memref<5000x1024xf32, #tpu.memory_space<hbm>>
    tpu.enqueue_indirect_dma source(%dma_start3A_83 : memref<5000x1024xf32, #tpu.memory_space<hbm>>) target(%arg14 : memref<8x1024xf32, #tpu.memory_space<vmem>>) offsets(%dma_start3A_80 : memref<8xi32, #tpu.memory_space<vmem>>) semaphore(%arg22 : memref<!tpu.dma_semaphore, #tpu.memory_space<semaphore_mem>>)
    %scan3A = arith.constant 0 : i32
    %scan3A_84 = arith.constant 0 : i32
    %scan3A_85 = arith.constant 8 : i32
    %scan3A_86 = arith.addi %scan3A_84, %scan3A_85 : i32
    %scan3A_87 = arith.constant 1 : i32
    scf.for %scan3A_124 = %scan3A_84 to %scan3A_86 step %scan3A_87  : i32 {
      %mul3A_125 = arith.constant 4 : i32
      %mul3A_126 = arith.muli %scan3A_124, %mul3A_125 : i32
      %add3A_127 = arith.constant 0 : i32
      %add3A_128 = arith.addi %mul3A_126, %add3A_127 : i32
      %ge3A = arith.constant 1 : i32
      %ge3A_129 = arith.cmpi sge, %add3A_128, %ge3A : i32
      %le3A = arith.constant 28 : i32
      %le3A_130 = arith.cmpi sle, %add3A_128, %le3A : i32
      %and3A_131 = arith.andi %ge3A_129, %le3A_130 : i1
      %convert_element_type3A = arith.extui %and3A_131 : i1 to i32
      %cond3A = arith.constant 0 : i32
      %cond3A_132 = arith.cmpi ne, %convert_element_type3A, %cond3A : i32
      scf.if %cond3A_132 {
        %dma_wait3A_272 = arith.constant 0 : i32
        %dma_wait3A_273 = arith.constant 0 : i32
        %dma_wait3A_274 = arith.constant 0 : i32
        %dma_wait3A_275 = tpu.memref_slice %arg5[%dma_wait3A_272, %dma_wait3A_273, %dma_wait3A_274] : memref<4x2048x1024xf32, #tpu.memory_space<hbm>> -> memref<1x8x1024xf32, #tpu.memory_space<hbm>>
        %dma_wait3A_276 = tpu.memref_squeeze %dma_wait3A_275 : memref<1x8x1024xf32, #tpu.memory_space<hbm>> -> memref<8x1024xf32, #tpu.memory_space<hbm>>
        %dma_wait3A_277 = arith.constant 0 : i32
        %dma_wait3A_278 = arith.constant 0 : i32
        %dma_wait3A_279 = tpu.memref_slice %arg5[%dma_wait3A_272, %dma_wait3A_277, %dma_wait3A_278] : memref<4x2048x1024xf32, #tpu.memory_space<hbm>> -> memref<1x8x1024xf32, #tpu.memory_space<hbm>>
        %dma_wait3A_280 = tpu.memref_squeeze %dma_wait3A_279 : memref<1x8x1024xf32, #tpu.memory_space<hbm>> -> memref<8x1024xf32, #tpu.memory_space<hbm>>
        tpu.wait_dma2 semaphore(%arg26 : memref<!tpu.dma_semaphore, #tpu.memory_space<semaphore_mem>>) src(%dma_wait3A_280 : memref<8x1024xf32, #tpu.memory_space<hbm>>) dst(%arg10 : memref<8x1024xf32, #tpu.memory_space<vmem>>)
        %add3A_281 = arith.constant 3 : i32
        %add3A_282 = arith.addi %add3A_128, %add3A_281 : i32
        %mul3A_283 = arith.constant 8 : i32
        %mul3A_284 = arith.muli %add3A_282, %mul3A_283 : i32
        %add3A_285 = arith.addi %mul3A_32, %mul3A_284 : i32
        %dma_start3A_286 = arith.constant 0 : i32
        %dma_start3A_287 = tpu.memref_slice %arg2[%select_n3A, %add3A_285, %dma_start3A_286] : memref<4x2048x1024xf32, #tpu.memory_space<hbm>> -> memref<1x8x1024xf32, #tpu.memory_space<hbm>>
        %dma_start3A_288 = tpu.memref_squeeze %dma_start3A_287 : memref<1x8x1024xf32, #tpu.memory_space<hbm>> -> memref<8x1024xf32, #tpu.memory_space<hbm>>
        %dma_start3A_289 = arith.constant 0 : i32
        %dma_start3A_290 = tpu.memref_slice %arg2[%select_n3A, %add3A_285, %dma_start3A_289] : memref<4x2048x1024xf32, #tpu.memory_space<hbm>> -> memref<1x8x1024xf32, #tpu.memory_space<hbm>>
        %dma_start3A_291 = tpu.memref_squeeze %dma_start3A_290 : memref<1x8x1024xf32, #tpu.memory_space<hbm>> -> memref<8x1024xf32, #tpu.memory_space<hbm>>
        tpu.enqueue_dma source(%dma_start3A_291 : memref<8x1024xf32, #tpu.memory_space<hbm>>) target(%arg10 : memref<8x1024xf32, #tpu.memory_space<vmem>>) target_semaphore(%arg18 : memref<!tpu.dma_semaphore, #tpu.memory_space<semaphore_mem>>)
        %mul3A_292 = arith.constant 8 : i32
        %mul3A_293 = arith.muli %add3A_282, %mul3A_292 : i32
        %dma_start3A_294 = tpu.memref_slice %arg6[%mul3A_293] : memref<256xi32, #tpu.memory_space<vmem>> -> memref<8xi32, #tpu.memory_space<vmem>>
        %dma_start3A_295 = arith.constant 0 : i32
        %dma_start3A_296 = arith.constant 0 : i32
        %dma_start3A_297 = tpu.memref_slice %arg4[%dma_start3A_295, %dma_start3A_296] : memref<5000x1024xf32, #tpu.memory_space<hbm>> -> memref<5000x1024xf32, #tpu.memory_space<hbm>>
        tpu.enqueue_indirect_dma source(%dma_start3A_297 : memref<5000x1024xf32, #tpu.memory_space<hbm>>) target(%arg14 : memref<8x1024xf32, #tpu.memory_space<vmem>>) offsets(%dma_start3A_294 : memref<8xi32, #tpu.memory_space<vmem>>) semaphore(%arg22 : memref<!tpu.dma_semaphore, #tpu.memory_space<semaphore_mem>>)
      } else {
      }
      %dma_wait3A_133 = arith.constant 0 : i32
      %dma_wait3A_134 = arith.constant 0 : i32
      %dma_wait3A_135 = arith.constant 0 : i32
      %dma_wait3A_136 = tpu.memref_slice %arg2[%dma_wait3A_133, %dma_wait3A_134, %dma_wait3A_135] : memref<4x2048x1024xf32, #tpu.memory_space<hbm>> -> memref<1x8x1024xf32, #tpu.memory_space<hbm>>
      %dma_wait3A_137 = tpu.memref_squeeze %dma_wait3A_136 : memref<1x8x1024xf32, #tpu.memory_space<hbm>> -> memref<8x1024xf32, #tpu.memory_space<hbm>>
      %dma_wait3A_138 = arith.constant 0 : i32
      %dma_wait3A_139 = arith.constant 0 : i32
      %dma_wait3A_140 = tpu.memref_slice %arg2[%dma_wait3A_133, %dma_wait3A_138, %dma_wait3A_139] : memref<4x2048x1024xf32, #tpu.memory_space<hbm>> -> memref<1x8x1024xf32, #tpu.memory_space<hbm>>
      %dma_wait3A_141 = tpu.memref_squeeze %dma_wait3A_140 : memref<1x8x1024xf32, #tpu.memory_space<hbm>> -> memref<8x1024xf32, #tpu.memory_space<hbm>>
      tpu.wait_dma2 semaphore(%arg15 : memref<!tpu.dma_semaphore, #tpu.memory_space<semaphore_mem>>) src(%dma_wait3A_141 : memref<8x1024xf32, #tpu.memory_space<hbm>>) dst(%arg7 : memref<8x1024xf32, #tpu.memory_space<vmem>>)
      %dma_wait3A_142 = arith.constant 0 : i32
      %dma_wait3A_143 = tpu.memref_slice %arg6[%dma_wait3A_142] : memref<256xi32, #tpu.memory_space<vmem>> -> memref<8xi32, #tpu.memory_space<vmem>>
      %dma_wait3A_144 = arith.constant 0 : i32
      %dma_wait3A_145 = arith.constant 0 : i32
      %dma_wait3A_146 = tpu.memref_slice %arg4[%dma_wait3A_144, %dma_wait3A_145] : memref<5000x1024xf32, #tpu.memory_space<hbm>> -> memref<5000x1024xf32, #tpu.memory_space<hbm>>
      tpu.wait_indirect_dma semaphore(%arg19 : memref<!tpu.dma_semaphore, #tpu.memory_space<semaphore_mem>>) src(%dma_wait3A_146 : memref<5000x1024xf32, #tpu.memory_space<hbm>>) dst(%arg11 : memref<8x1024xf32, #tpu.memory_space<vmem>>)
      %parallel_loop3A = arith.constant 0 : i32
      %parallel_loop3A_147 = arith.constant 512 : i32
      %parallel_loop3A_148 = arith.constant 1 : i32
      scf.for %parallel_loop3A_272 = %parallel_loop3A to %parallel_loop3A_147 step %parallel_loop3A_148  : i32 {
        %parallel_loop3A_273 = arith.constant 64 : i32
        %parallel_loop3A_274 = arith.divsi %parallel_loop3A_272, %parallel_loop3A_273 : i32
        %parallel_loop3A_275 = arith.constant 0 : i32
        %parallel_loop3A_276 = arith.cmpi sgt, %parallel_loop3A_272, %parallel_loop3A_275 : i32
        %parallel_loop3A_277 = arith.extui %parallel_loop3A_276 : i1 to i32
        %parallel_loop3A_278 = arith.constant 0 : i32
        %parallel_loop3A_279 = arith.cmpi slt, %parallel_loop3A_272, %parallel_loop3A_278 : i32
        %parallel_loop3A_280 = arith.extui %parallel_loop3A_279 : i1 to i32
        %parallel_loop3A_281 = arith.subi %parallel_loop3A_277, %parallel_loop3A_280 : i32
        %parallel_loop3A_282 = arith.constant 0 : i32
        %parallel_loop3A_283 = arith.cmpi sgt, %parallel_loop3A_273, %parallel_loop3A_282 : i32
        %parallel_loop3A_284 = arith.extui %parallel_loop3A_283 : i1 to i32
        %parallel_loop3A_285 = arith.constant 0 : i32
        %parallel_loop3A_286 = arith.cmpi slt, %parallel_loop3A_273, %parallel_loop3A_285 : i32
        %parallel_loop3A_287 = arith.extui %parallel_loop3A_286 : i1 to i32
        %parallel_loop3A_288 = arith.subi %parallel_loop3A_284, %parallel_loop3A_287 : i32
        %parallel_loop3A_289 = arith.cmpi ne, %parallel_loop3A_281, %parallel_loop3A_288 : i32
        %parallel_loop3A_290 = arith.remsi %parallel_loop3A_272, %parallel_loop3A_273 : i32
        %parallel_loop3A_291 = arith.constant 0 : i32
        %parallel_loop3A_292 = arith.cmpi ne, %parallel_loop3A_290, %parallel_loop3A_291 : i32
        %parallel_loop3A_293 = arith.andi %parallel_loop3A_289, %parallel_loop3A_292 : i1
        %parallel_loop3A_294 = arith.constant 1 : i32
        %parallel_loop3A_295 = arith.subi %parallel_loop3A_274, %parallel_loop3A_294 : i32
        %parallel_loop3A_296 = arith.select %parallel_loop3A_293, %parallel_loop3A_295, %parallel_loop3A_274 : i32
        %parallel_loop3A_297 = arith.constant 64 : i32
        %parallel_loop3A_298 = arith.constant 0 : i32
        %parallel_loop3A_299 = arith.cmpi eq, %parallel_loop3A_297, %parallel_loop3A_298 : i32
        %parallel_loop3A_300 = arith.constant 1 : i32
        %parallel_loop3A_301 = arith.select %parallel_loop3A_299, %parallel_loop3A_300, %parallel_loop3A_297 : i32
        %parallel_loop3A_302 = arith.remsi %parallel_loop3A_272, %parallel_loop3A_301 : i32
        %parallel_loop3A_303 = arith.constant 0 : i32
        %parallel_loop3A_304 = arith.cmpi ne, %parallel_loop3A_302, %parallel_loop3A_303 : i32
        %parallel_loop3A_305 = arith.constant 0 : i32
        %parallel_loop3A_306 = arith.cmpi slt, %parallel_loop3A_302, %parallel_loop3A_305 : i32
        %parallel_loop3A_307 = arith.constant 0 : i32
        %parallel_loop3A_308 = arith.cmpi slt, %parallel_loop3A_301, %parallel_loop3A_307 : i32
        %parallel_loop3A_309 = arith.xori %parallel_loop3A_306, %parallel_loop3A_308 : i1
        %parallel_loop3A_310 = arith.andi %parallel_loop3A_309, %parallel_loop3A_304 : i1
        %parallel_loop3A_311 = arith.addi %parallel_loop3A_302, %parallel_loop3A_301 : i32
        %parallel_loop3A_312 = arith.select %parallel_loop3A_310, %parallel_loop3A_311, %parallel_loop3A_302 : i32
        %parallel_loop3A_313 = arith.constant 16 : i32
        %parallel_loop3A_314 = arith.muli %parallel_loop3A_312, %parallel_loop3A_313 : i32
        %parallel_loop3A_315 = arith.index_cast %parallel_loop3A_296 : i32 to index
        %parallel_loop3A_316 = arith.index_cast %parallel_loop3A_314 : i32 to index
        %parallel_loop3A_317 = tpu.vector_load %arg11[%parallel_loop3A_315, %parallel_loop3A_316] {strides = array<i32>} : memref<8x1024xf32, #tpu.memory_space<vmem>>, vector<1x16xf32>,
        %parallel_loop3A_318 = vector.shape_cast %parallel_loop3A_317 : vector<1x16xf32> to vector<16xf32>
        %parallel_loop3A_319 = arith.index_cast %parallel_loop3A_296 : i32 to index
        %parallel_loop3A_320 = arith.index_cast %parallel_loop3A_314 : i32 to index
        %parallel_loop3A_321 = tpu.vector_load %arg7[%parallel_loop3A_319, %parallel_loop3A_320] {strides = array<i32>} : memref<8x1024xf32, #tpu.memory_space<vmem>>, vector<1x16xf32>,
        %parallel_loop3A_322 = vector.shape_cast %parallel_loop3A_321 : vector<1x16xf32> to vector<16xf32>
        %parallel_loop3A_323 = vector.shape_cast %parallel_loop3A_318 : vector<16xf32> to vector<1x16xf32>
        tpu.vector_store %arg7[%parallel_loop3A_319, %parallel_loop3A_320], %parallel_loop3A_323 {add = true, strides = array<i32>} : memref<8x1024xf32, #tpu.memory_space<vmem>>, vector<1x16xf32>,
      } {sc.loop_unroll_factor = 8 : i64, sc.parallel_access}
      %mul3A_149 = arith.constant 8 : i32
      %mul3A_150 = arith.muli %add3A_128, %mul3A_149 : i32
      %add3A_151 = arith.addi %mul3A_32, %mul3A_150 : i32
      %dma_start3A_152 = arith.constant 0 : i32
      %dma_start3A_153 = tpu.memref_slice %arg5[%select_n3A, %add3A_151, %dma_start3A_152] : memref<4x2048x1024xf32, #tpu.memory_space<hbm>> -> memref<1x8x1024xf32, #tpu.memory_space<hbm>>
      %dma_start3A_154 = tpu.memref_squeeze %dma_start3A_153 : memref<1x8x1024xf32, #tpu.memory_space<hbm>> -> memref<8x1024xf32, #tpu.memory_space<hbm>>
      %dma_start3A_155 = arith.constant 0 : i32
      %dma_start3A_156 = tpu.memref_slice %arg5[%select_n3A, %add3A_151, %dma_start3A_155] : memref<4x2048x1024xf32, #tpu.memory_space<hbm>> -> memref<1x8x1024xf32, #tpu.memory_space<hbm>>
      %dma_start3A_157 = tpu.memref_squeeze %dma_start3A_156 : memref<1x8x1024xf32, #tpu.memory_space<hbm>> -> memref<8x1024xf32, #tpu.memory_space<hbm>>
      tpu.enqueue_dma source(%arg7 : memref<8x1024xf32, #tpu.memory_space<vmem>>) target(%dma_start3A_157 : memref<8x1024xf32, #tpu.memory_space<hbm>>) target_semaphore(%arg23 : memref<!tpu.dma_semaphore, #tpu.memory_space<semaphore_mem>>)
      %mul3A_158 = arith.constant 4 : i32
      %mul3A_159 = arith.muli %scan3A_124, %mul3A_158 : i32
      %add3A_160 = arith.constant 1 : i32
      %add3A_161 = arith.addi %mul3A_159, %add3A_160 : i32
      %ge3A_162 = arith.constant 1 : i32
      %ge3A_163 = arith.cmpi sge, %add3A_161, %ge3A_162 : i32
      %le3A_164 = arith.constant 28 : i32
      %le3A_165 = arith.cmpi sle, %add3A_161, %le3A_164 : i32
      %and3A_166 = arith.andi %ge3A_163, %le3A_165 : i1
      %convert_element_type3A_167 = arith.extui %and3A_166 : i1 to i32
      %cond3A_168 = arith.constant 0 : i32
      %cond3A_169 = arith.cmpi ne, %convert_element_type3A_167, %cond3A_168 : i32
      scf.if %cond3A_169 {
        %dma_wait3A_272 = arith.constant 0 : i32
        %dma_wait3A_273 = arith.constant 0 : i32
        %dma_wait3A_274 = arith.constant 0 : i32
        %dma_wait3A_275 = tpu.memref_slice %arg5[%dma_wait3A_272, %dma_wait3A_273, %dma_wait3A_274] : memref<4x2048x1024xf32, #tpu.memory_space<hbm>> -> memref<1x8x1024xf32, #tpu.memory_space<hbm>>
        %dma_wait3A_276 = tpu.memref_squeeze %dma_wait3A_275 : memref<1x8x1024xf32, #tpu.memory_space<hbm>> -> memref<8x1024xf32, #tpu.memory_space<hbm>>
        %dma_wait3A_277 = arith.constant 0 : i32
        %dma_wait3A_278 = arith.constant 0 : i32
        %dma_wait3A_279 = tpu.memref_slice %arg5[%dma_wait3A_272, %dma_wait3A_277, %dma_wait3A_278] : memref<4x2048x1024xf32, #tpu.memory_space<hbm>> -> memref<1x8x1024xf32, #tpu.memory_space<hbm>>
        %dma_wait3A_280 = tpu.memref_squeeze %dma_wait3A_279 : memref<1x8x1024xf32, #tpu.memory_space<hbm>> -> memref<8x1024xf32, #tpu.memory_space<hbm>>
        tpu.wait_dma2 semaphore(%arg23 : memref<!tpu.dma_semaphore, #tpu.memory_space<semaphore_mem>>) src(%dma_wait3A_280 : memref<8x1024xf32, #tpu.memory_space<hbm>>) dst(%arg7 : memref<8x1024xf32, #tpu.memory_space<vmem>>)
        %add3A_281 = arith.constant 3 : i32
        %add3A_282 = arith.addi %add3A_161, %add3A_281 : i32
        %mul3A_283 = arith.constant 8 : i32
        %mul3A_284 = arith.muli %add3A_282, %mul3A_283 : i32
        %add3A_285 = arith.addi %mul3A_32, %mul3A_284 : i32
        %dma_start3A_286 = arith.constant 0 : i32
        %dma_start3A_287 = tpu.memref_slice %arg2[%select_n3A, %add3A_285, %dma_start3A_286] : memref<4x2048x1024xf32, #tpu.memory_space<hbm>> -> memref<1x8x1024xf32, #tpu.memory_space<hbm>>
        %dma_start3A_288 = tpu.memref_squeeze %dma_start3A_287 : memref<1x8x1024xf32, #tpu.memory_space<hbm>> -> memref<8x1024xf32, #tpu.memory_space<hbm>>
        %dma_start3A_289 = arith.constant 0 : i32
        %dma_start3A_290 = tpu.memref_slice %arg2[%select_n3A, %add3A_285, %dma_start3A_289] : memref<4x2048x1024xf32, #tpu.memory_space<hbm>> -> memref<1x8x1024xf32, #tpu.memory_space<hbm>>
        %dma_start3A_291 = tpu.memref_squeeze %dma_start3A_290 : memref<1x8x1024xf32, #tpu.memory_space<hbm>> -> memref<8x1024xf32, #tpu.memory_space<hbm>>
        tpu.enqueue_dma source(%dma_start3A_291 : memref<8x1024xf32, #tpu.memory_space<hbm>>) target(%arg7 : memref<8x1024xf32, #tpu.memory_space<vmem>>) target_semaphore(%arg15 : memref<!tpu.dma_semaphore, #tpu.memory_space<semaphore_mem>>)
        %mul3A_292 = arith.constant 8 : i32
        %mul3A_293 = arith.muli %add3A_282, %mul3A_292 : i32
        %dma_start3A_294 = tpu.memref_slice %arg6[%mul3A_293] : memref<256xi32, #tpu.memory_space<vmem>> -> memref<8xi32, #tpu.memory_space<vmem>>
        %dma_start3A_295 = arith.constant 0 : i32
        %dma_start3A_296 = arith.constant 0 : i32
        %dma_start3A_297 = tpu.memref_slice %arg4[%dma_start3A_295, %dma_start3A_296] : memref<5000x1024xf32, #tpu.memory_space<hbm>> -> memref<5000x1024xf32, #tpu.memory_space<hbm>>
        tpu.enqueue_indirect_dma source(%dma_start3A_297 : memref<5000x1024xf32, #tpu.memory_space<hbm>>) target(%arg11 : memref<8x1024xf32, #tpu.memory_space<vmem>>) offsets(%dma_start3A_294 : memref<8xi32, #tpu.memory_space<vmem>>) semaphore(%arg19 : memref<!tpu.dma_semaphore, #tpu.memory_space<semaphore_mem>>)
      } else {
      }
      %dma_wait3A_170 = arith.constant 0 : i32
      %dma_wait3A_171 = arith.constant 0 : i32
      %dma_wait3A_172 = arith.constant 0 : i32
      %dma_wait3A_173 = tpu.memref_slice %arg2[%dma_wait3A_170, %dma_wait3A_171, %dma_wait3A_172] : memref<4x2048x1024xf32, #tpu.memory_space<hbm>> -> memref<1x8x1024xf32, #tpu.memory_space<hbm>>
      %dma_wait3A_174 = tpu.memref_squeeze %dma_wait3A_173 : memref<1x8x1024xf32, #tpu.memory_space<hbm>> -> memref<8x1024xf32, #tpu.memory_space<hbm>>
      %dma_wait3A_175 = arith.constant 0 : i32
      %dma_wait3A_176 = arith.constant 0 : i32
      %dma_wait3A_177 = tpu.memref_slice %arg2[%dma_wait3A_170, %dma_wait3A_175, %dma_wait3A_176] : memref<4x2048x1024xf32, #tpu.memory_space<hbm>> -> memref<1x8x1024xf32, #tpu.memory_space<hbm>>
      %dma_wait3A_178 = tpu.memref_squeeze %dma_wait3A_177 : memref<1x8x1024xf32, #tpu.memory_space<hbm>> -> memref<8x1024xf32, #tpu.memory_space<hbm>>
      tpu.wait_dma2 semaphore(%arg16 : memref<!tpu.dma_semaphore, #tpu.memory_space<semaphore_mem>>) src(%dma_wait3A_178 : memref<8x1024xf32, #tpu.memory_space<hbm>>) dst(%arg8 : memref<8x1024xf32, #tpu.memory_space<vmem>>)
      %dma_wait3A_179 = arith.constant 0 : i32
      %dma_wait3A_180 = tpu.memref_slice %arg6[%dma_wait3A_179] : memref<256xi32, #tpu.memory_space<vmem>> -> memref<8xi32, #tpu.memory_space<vmem>>
      %dma_wait3A_181 = arith.constant 0 : i32
      %dma_wait3A_182 = arith.constant 0 : i32
      %dma_wait3A_183 = tpu.memref_slice %arg4[%dma_wait3A_181, %dma_wait3A_182] : memref<5000x1024xf32, #tpu.memory_space<hbm>> -> memref<5000x1024xf32, #tpu.memory_space<hbm>>
      tpu.wait_indirect_dma semaphore(%arg20 : memref<!tpu.dma_semaphore, #tpu.memory_space<semaphore_mem>>) src(%dma_wait3A_183 : memref<5000x1024xf32, #tpu.memory_space<hbm>>) dst(%arg12 : memref<8x1024xf32, #tpu.memory_space<vmem>>)
      %parallel_loop3A_184 = arith.constant 0 : i32
      %parallel_loop3A_185 = arith.constant 512 : i32
      %parallel_loop3A_186 = arith.constant 1 : i32
      scf.for %parallel_loop3A_272 = %parallel_loop3A_184 to %parallel_loop3A_185 step %parallel_loop3A_186  : i32 {
        %parallel_loop3A_273 = arith.constant 64 : i32
        %parallel_loop3A_274 = arith.divsi %parallel_loop3A_272, %parallel_loop3A_273 : i32
        %parallel_loop3A_275 = arith.constant 0 : i32
        %parallel_loop3A_276 = arith.cmpi sgt, %parallel_loop3A_272, %parallel_loop3A_275 : i32
        %parallel_loop3A_277 = arith.extui %parallel_loop3A_276 : i1 to i32
        %parallel_loop3A_278 = arith.constant 0 : i32
        %parallel_loop3A_279 = arith.cmpi slt, %parallel_loop3A_272, %parallel_loop3A_278 : i32
        %parallel_loop3A_280 = arith.extui %parallel_loop3A_279 : i1 to i32
        %parallel_loop3A_281 = arith.subi %parallel_loop3A_277, %parallel_loop3A_280 : i32
        %parallel_loop3A_282 = arith.constant 0 : i32
        %parallel_loop3A_283 = arith.cmpi sgt, %parallel_loop3A_273, %parallel_loop3A_282 : i32
        %parallel_loop3A_284 = arith.extui %parallel_loop3A_283 : i1 to i32
        %parallel_loop3A_285 = arith.constant 0 : i32
        %parallel_loop3A_286 = arith.cmpi slt, %parallel_loop3A_273, %parallel_loop3A_285 : i32
        %parallel_loop3A_287 = arith.extui %parallel_loop3A_286 : i1 to i32
        %parallel_loop3A_288 = arith.subi %parallel_loop3A_284, %parallel_loop3A_287 : i32
        %parallel_loop3A_289 = arith.cmpi ne, %parallel_loop3A_281, %parallel_loop3A_288 : i32
        %parallel_loop3A_290 = arith.remsi %parallel_loop3A_272, %parallel_loop3A_273 : i32
        %parallel_loop3A_291 = arith.constant 0 : i32
        %parallel_loop3A_292 = arith.cmpi ne, %parallel_loop3A_290, %parallel_loop3A_291 : i32
        %parallel_loop3A_293 = arith.andi %parallel_loop3A_289, %parallel_loop3A_292 : i1
        %parallel_loop3A_294 = arith.constant 1 : i32
        %parallel_loop3A_295 = arith.subi %parallel_loop3A_274, %parallel_loop3A_294 : i32
        %parallel_loop3A_296 = arith.select %parallel_loop3A_293, %parallel_loop3A_295, %parallel_loop3A_274 : i32
        %parallel_loop3A_297 = arith.constant 64 : i32
        %parallel_loop3A_298 = arith.constant 0 : i32
        %parallel_loop3A_299 = arith.cmpi eq, %parallel_loop3A_297, %parallel_loop3A_298 : i32
        %parallel_loop3A_300 = arith.constant 1 : i32
        %parallel_loop3A_301 = arith.select %parallel_loop3A_299, %parallel_loop3A_300, %parallel_loop3A_297 : i32
        %parallel_loop3A_302 = arith.remsi %parallel_loop3A_272, %parallel_loop3A_301 : i32
        %parallel_loop3A_303 = arith.constant 0 : i32
        %parallel_loop3A_304 = arith.cmpi ne, %parallel_loop3A_302, %parallel_loop3A_303 : i32
        %parallel_loop3A_305 = arith.constant 0 : i32
        %parallel_loop3A_306 = arith.cmpi slt, %parallel_loop3A_302, %parallel_loop3A_305 : i32
        %parallel_loop3A_307 = arith.constant 0 : i32
        %parallel_loop3A_308 = arith.cmpi slt, %parallel_loop3A_301, %parallel_loop3A_307 : i32
        %parallel_loop3A_309 = arith.xori %parallel_loop3A_306, %parallel_loop3A_308 : i1
        %parallel_loop3A_310 = arith.andi %parallel_loop3A_309, %parallel_loop3A_304 : i1
        %parallel_loop3A_311 = arith.addi %parallel_loop3A_302, %parallel_loop3A_301 : i32
        %parallel_loop3A_312 = arith.select %parallel_loop3A_310, %parallel_loop3A_311, %parallel_loop3A_302 : i32
        %parallel_loop3A_313 = arith.constant 16 : i32
        %parallel_loop3A_314 = arith.muli %parallel_loop3A_312, %parallel_loop3A_313 : i32
        %parallel_loop3A_315 = arith.index_cast %parallel_loop3A_296 : i32 to index
        %parallel_loop3A_316 = arith.index_cast %parallel_loop3A_314 : i32 to index
        %parallel_loop3A_317 = tpu.vector_load %arg12[%parallel_loop3A_315, %parallel_loop3A_316] {strides = array<i32>} : memref<8x1024xf32, #tpu.memory_space<vmem>>, vector<1x16xf32>,
        %parallel_loop3A_318 = vector.shape_cast %parallel_loop3A_317 : vector<1x16xf32> to vector<16xf32>
        %parallel_loop3A_319 = arith.index_cast %parallel_loop3A_296 : i32 to index
        %parallel_loop3A_320 = arith.index_cast %parallel_loop3A_314 : i32 to index
        %parallel_loop3A_321 = tpu.vector_load %arg8[%parallel_loop3A_319, %parallel_loop3A_320] {strides = array<i32>} : memref<8x1024xf32, #tpu.memory_space<vmem>>, vector<1x16xf32>,
        %parallel_loop3A_322 = vector.shape_cast %parallel_loop3A_321 : vector<1x16xf32> to vector<16xf32>
        %parallel_loop3A_323 = vector.shape_cast %parallel_loop3A_318 : vector<16xf32> to vector<1x16xf32>
        tpu.vector_store %arg8[%parallel_loop3A_319, %parallel_loop3A_320], %parallel_loop3A_323 {add = true, strides = array<i32>} : memref<8x1024xf32, #tpu.memory_space<vmem>>, vector<1x16xf32>,
      } {sc.loop_unroll_factor = 8 : i64, sc.parallel_access}
      %mul3A_187 = arith.constant 8 : i32
      %mul3A_188 = arith.muli %add3A_161, %mul3A_187 : i32
      %add3A_189 = arith.addi %mul3A_32, %mul3A_188 : i32
      %dma_start3A_190 = arith.constant 0 : i32
      %dma_start3A_191 = tpu.memref_slice %arg5[%select_n3A, %add3A_189, %dma_start3A_190] : memref<4x2048x1024xf32, #tpu.memory_space<hbm>> -> memref<1x8x1024xf32, #tpu.memory_space<hbm>>
      %dma_start3A_192 = tpu.memref_squeeze %dma_start3A_191 : memref<1x8x1024xf32, #tpu.memory_space<hbm>> -> memref<8x1024xf32, #tpu.memory_space<hbm>>
      %dma_start3A_193 = arith.constant 0 : i32
      %dma_start3A_194 = tpu.memref_slice %arg5[%select_n3A, %add3A_189, %dma_start3A_193] : memref<4x2048x1024xf32, #tpu.memory_space<hbm>> -> memref<1x8x1024xf32, #tpu.memory_space<hbm>>
      %dma_start3A_195 = tpu.memref_squeeze %dma_start3A_194 : memref<1x8x1024xf32, #tpu.memory_space<hbm>> -> memref<8x1024xf32, #tpu.memory_space<hbm>>
      tpu.enqueue_dma source(%arg8 : memref<8x1024xf32, #tpu.memory_space<vmem>>) target(%dma_start3A_195 : memref<8x1024xf32, #tpu.memory_space<hbm>>) target_semaphore(%arg24 : memref<!tpu.dma_semaphore, #tpu.memory_space<semaphore_mem>>)
      %mul3A_196 = arith.constant 4 : i32
      %mul3A_197 = arith.muli %scan3A_124, %mul3A_196 : i32
      %add3A_198 = arith.constant 2 : i32
      %add3A_199 = arith.addi %mul3A_197, %add3A_198 : i32
      %ge3A_200 = arith.constant 1 : i32
      %ge3A_201 = arith.cmpi sge, %add3A_199, %ge3A_200 : i32
      %le3A_202 = arith.constant 28 : i32
      %le3A_203 = arith.cmpi sle, %add3A_199, %le3A_202 : i32
      %and3A_204 = arith.andi %ge3A_201, %le3A_203 : i1
      %convert_element_type3A_205 = arith.extui %and3A_204 : i1 to i32
      %cond3A_206 = arith.constant 0 : i32
      %cond3A_207 = arith.cmpi ne, %convert_element_type3A_205, %cond3A_206 : i32
      scf.if %cond3A_207 {
        %dma_wait3A_272 = arith.constant 0 : i32
        %dma_wait3A_273 = arith.constant 0 : i32
        %dma_wait3A_274 = arith.constant 0 : i32
        %dma_wait3A_275 = tpu.memref_slice %arg5[%dma_wait3A_272, %dma_wait3A_273, %dma_wait3A_274] : memref<4x2048x1024xf32, #tpu.memory_space<hbm>> -> memref<1x8x1024xf32, #tpu.memory_space<hbm>>
        %dma_wait3A_276 = tpu.memref_squeeze %dma_wait3A_275 : memref<1x8x1024xf32, #tpu.memory_space<hbm>> -> memref<8x1024xf32, #tpu.memory_space<hbm>>
        %dma_wait3A_277 = arith.constant 0 : i32
        %dma_wait3A_278 = arith.constant 0 : i32
        %dma_wait3A_279 = tpu.memref_slice %arg5[%dma_wait3A_272, %dma_wait3A_277, %dma_wait3A_278] : memref<4x2048x1024xf32, #tpu.memory_space<hbm>> -> memref<1x8x1024xf32, #tpu.memory_space<hbm>>
        %dma_wait3A_280 = tpu.memref_squeeze %dma_wait3A_279 : memref<1x8x1024xf32, #tpu.memory_space<hbm>> -> memref<8x1024xf32, #tpu.memory_space<hbm>>
        tpu.wait_dma2 semaphore(%arg24 : memref<!tpu.dma_semaphore, #tpu.memory_space<semaphore_mem>>) src(%dma_wait3A_280 : memref<8x1024xf32, #tpu.memory_space<hbm>>) dst(%arg8 : memref<8x1024xf32, #tpu.memory_space<vmem>>)
        %add3A_281 = arith.constant 3 : i32
        %add3A_282 = arith.addi %add3A_199, %add3A_281 : i32
        %mul3A_283 = arith.constant 8 : i32
        %mul3A_284 = arith.muli %add3A_282, %mul3A_283 : i32
        %add3A_285 = arith.addi %mul3A_32, %mul3A_284 : i32
        %dma_start3A_286 = arith.constant 0 : i32
        %dma_start3A_287 = tpu.memref_slice %arg2[%select_n3A, %add3A_285, %dma_start3A_286] : memref<4x2048x1024xf32, #tpu.memory_space<hbm>> -> memref<1x8x1024xf32, #tpu.memory_space<hbm>>
        %dma_start3A_288 = tpu.memref_squeeze %dma_start3A_287 : memref<1x8x1024xf32, #tpu.memory_space<hbm>> -> memref<8x1024xf32, #tpu.memory_space<hbm>>
        %dma_start3A_289 = arith.constant 0 : i32
        %dma_start3A_290 = tpu.memref_slice %arg2[%select_n3A, %add3A_285, %dma_start3A_289] : memref<4x2048x1024xf32, #tpu.memory_space<hbm>> -> memref<1x8x1024xf32, #tpu.memory_space<hbm>>
        %dma_start3A_291 = tpu.memref_squeeze %dma_start3A_290 : memref<1x8x1024xf32, #tpu.memory_space<hbm>> -> memref<8x1024xf32, #tpu.memory_space<hbm>>
        tpu.enqueue_dma source(%dma_start3A_291 : memref<8x1024xf32, #tpu.memory_space<hbm>>) target(%arg8 : memref<8x1024xf32, #tpu.memory_space<vmem>>) target_semaphore(%arg16 : memref<!tpu.dma_semaphore, #tpu.memory_space<semaphore_mem>>)
        %mul3A_292 = arith.constant 8 : i32
        %mul3A_293 = arith.muli %add3A_282, %mul3A_292 : i32
        %dma_start3A_294 = tpu.memref_slice %arg6[%mul3A_293] : memref<256xi32, #tpu.memory_space<vmem>> -> memref<8xi32, #tpu.memory_space<vmem>>
        %dma_start3A_295 = arith.constant 0 : i32
        %dma_start3A_296 = arith.constant 0 : i32
        %dma_start3A_297 = tpu.memref_slice %arg4[%dma_start3A_295, %dma_start3A_296] : memref<5000x1024xf32, #tpu.memory_space<hbm>> -> memref<5000x1024xf32, #tpu.memory_space<hbm>>
        tpu.enqueue_indirect_dma source(%dma_start3A_297 : memref<5000x1024xf32, #tpu.memory_space<hbm>>) target(%arg12 : memref<8x1024xf32, #tpu.memory_space<vmem>>) offsets(%dma_start3A_294 : memref<8xi32, #tpu.memory_space<vmem>>) semaphore(%arg20 : memref<!tpu.dma_semaphore, #tpu.memory_space<semaphore_mem>>)
      } else {
      }
      %dma_wait3A_208 = arith.constant 0 : i32
      %dma_wait3A_209 = arith.constant 0 : i32
      %dma_wait3A_210 = arith.constant 0 : i32
      %dma_wait3A_211 = tpu.memref_slice %arg2[%dma_wait3A_208, %dma_wait3A_209, %dma_wait3A_210] : memref<4x2048x1024xf32, #tpu.memory_space<hbm>> -> memref<1x8x1024xf32, #tpu.memory_space<hbm>>
      %dma_wait3A_212 = tpu.memref_squeeze %dma_wait3A_211 : memref<1x8x1024xf32, #tpu.memory_space<hbm>> -> memref<8x1024xf32, #tpu.memory_space<hbm>>
      %dma_wait3A_213 = arith.constant 0 : i32
      %dma_wait3A_214 = arith.constant 0 : i32
      %dma_wait3A_215 = tpu.memref_slice %arg2[%dma_wait3A_208, %dma_wait3A_213, %dma_wait3A_214] : memref<4x2048x1024xf32, #tpu.memory_space<hbm>> -> memref<1x8x1024xf32, #tpu.memory_space<hbm>>
      %dma_wait3A_216 = tpu.memref_squeeze %dma_wait3A_215 : memref<1x8x1024xf32, #tpu.memory_space<hbm>> -> memref<8x1024xf32, #tpu.memory_space<hbm>>
      tpu.wait_dma2 semaphore(%arg17 : memref<!tpu.dma_semaphore, #tpu.memory_space<semaphore_mem>>) src(%dma_wait3A_216 : memref<8x1024xf32, #tpu.memory_space<hbm>>) dst(%arg9 : memref<8x1024xf32, #tpu.memory_space<vmem>>)
      %dma_wait3A_217 = arith.constant 0 : i32
      %dma_wait3A_218 = tpu.memref_slice %arg6[%dma_wait3A_217] : memref<256xi32, #tpu.memory_space<vmem>> -> memref<8xi32, #tpu.memory_space<vmem>>
      %dma_wait3A_219 = arith.constant 0 : i32
      %dma_wait3A_220 = arith.constant 0 : i32
      %dma_wait3A_221 = tpu.memref_slice %arg4[%dma_wait3A_219, %dma_wait3A_220] : memref<5000x1024xf32, #tpu.memory_space<hbm>> -> memref<5000x1024xf32, #tpu.memory_space<hbm>>
      tpu.wait_indirect_dma semaphore(%arg21 : memref<!tpu.dma_semaphore, #tpu.memory_space<semaphore_mem>>) src(%dma_wait3A_221 : memref<5000x1024xf32, #tpu.memory_space<hbm>>) dst(%arg13 : memref<8x1024xf32, #tpu.memory_space<vmem>>)
      %parallel_loop3A_222 = arith.constant 0 : i32
      %parallel_loop3A_223 = arith.constant 512 : i32
      %parallel_loop3A_224 = arith.constant 1 : i32
      scf.for %parallel_loop3A_272 = %parallel_loop3A_222 to %parallel_loop3A_223 step %parallel_loop3A_224  : i32 {
        %parallel_loop3A_273 = arith.constant 64 : i32
        %parallel_loop3A_274 = arith.divsi %parallel_loop3A_272, %parallel_loop3A_273 : i32
        %parallel_loop3A_275 = arith.constant 0 : i32
        %parallel_loop3A_276 = arith.cmpi sgt, %parallel_loop3A_272, %parallel_loop3A_275 : i32
        %parallel_loop3A_277 = arith.extui %parallel_loop3A_276 : i1 to i32
        %parallel_loop3A_278 = arith.constant 0 : i32
        %parallel_loop3A_279 = arith.cmpi slt, %parallel_loop3A_272, %parallel_loop3A_278 : i32
        %parallel_loop3A_280 = arith.extui %parallel_loop3A_279 : i1 to i32
        %parallel_loop3A_281 = arith.subi %parallel_loop3A_277, %parallel_loop3A_280 : i32
        %parallel_loop3A_282 = arith.constant 0 : i32
        %parallel_loop3A_283 = arith.cmpi sgt, %parallel_loop3A_273, %parallel_loop3A_282 : i32
        %parallel_loop3A_284 = arith.extui %parallel_loop3A_283 : i1 to i32
        %parallel_loop3A_285 = arith.constant 0 : i32
        %parallel_loop3A_286 = arith.cmpi slt, %parallel_loop3A_273, %parallel_loop3A_285 : i32
        %parallel_loop3A_287 = arith.extui %parallel_loop3A_286 : i1 to i32
        %parallel_loop3A_288 = arith.subi %parallel_loop3A_284, %parallel_loop3A_287 : i32
        %parallel_loop3A_289 = arith.cmpi ne, %parallel_loop3A_281, %parallel_loop3A_288 : i32
        %parallel_loop3A_290 = arith.remsi %parallel_loop3A_272, %parallel_loop3A_273 : i32
        %parallel_loop3A_291 = arith.constant 0 : i32
        %parallel_loop3A_292 = arith.cmpi ne, %parallel_loop3A_290, %parallel_loop3A_291 : i32
        %parallel_loop3A_293 = arith.andi %parallel_loop3A_289, %parallel_loop3A_292 : i1
        %parallel_loop3A_294 = arith.constant 1 : i32
        %parallel_loop3A_295 = arith.subi %parallel_loop3A_274, %parallel_loop3A_294 : i32
        %parallel_loop3A_296 = arith.select %parallel_loop3A_293, %parallel_loop3A_295, %parallel_loop3A_274 : i32
        %parallel_loop3A_297 = arith.constant 64 : i32
        %parallel_loop3A_298 = arith.constant 0 : i32
        %parallel_loop3A_299 = arith.cmpi eq, %parallel_loop3A_297, %parallel_loop3A_298 : i32
        %parallel_loop3A_300 = arith.constant 1 : i32
        %parallel_loop3A_301 = arith.select %parallel_loop3A_299, %parallel_loop3A_300, %parallel_loop3A_297 : i32
        %parallel_loop3A_302 = arith.remsi %parallel_loop3A_272, %parallel_loop3A_301 : i32
        %parallel_loop3A_303 = arith.constant 0 : i32
        %parallel_loop3A_304 = arith.cmpi ne, %parallel_loop3A_302, %parallel_loop3A_303 : i32
        %parallel_loop3A_305 = arith.constant 0 : i32
        %parallel_loop3A_306 = arith.cmpi slt, %parallel_loop3A_302, %parallel_loop3A_305 : i32
        %parallel_loop3A_307 = arith.constant 0 : i32
        %parallel_loop3A_308 = arith.cmpi slt, %parallel_loop3A_301, %parallel_loop3A_307 : i32
        %parallel_loop3A_309 = arith.xori %parallel_loop3A_306, %parallel_loop3A_308 : i1
        %parallel_loop3A_310 = arith.andi %parallel_loop3A_309, %parallel_loop3A_304 : i1
        %parallel_loop3A_311 = arith.addi %parallel_loop3A_302, %parallel_loop3A_301 : i32
        %parallel_loop3A_312 = arith.select %parallel_loop3A_310, %parallel_loop3A_311, %parallel_loop3A_302 : i32
        %parallel_loop3A_313 = arith.constant 16 : i32
        %parallel_loop3A_314 = arith.muli %parallel_loop3A_312, %parallel_loop3A_313 : i32
        %parallel_loop3A_315 = arith.index_cast %parallel_loop3A_296 : i32 to index
        %parallel_loop3A_316 = arith.index_cast %parallel_loop3A_314 : i32 to index
        %parallel_loop3A_317 = tpu.vector_load %arg13[%parallel_loop3A_315, %parallel_loop3A_316] {strides = array<i32>} : memref<8x1024xf32, #tpu.memory_space<vmem>>, vector<1x16xf32>,
        %parallel_loop3A_318 = vector.shape_cast %parallel_loop3A_317 : vector<1x16xf32> to vector<16xf32>
        %parallel_loop3A_319 = arith.index_cast %parallel_loop3A_296 : i32 to index
        %parallel_loop3A_320 = arith.index_cast %parallel_loop3A_314 : i32 to index
        %parallel_loop3A_321 = tpu.vector_load %arg9[%parallel_loop3A_319, %parallel_loop3A_320] {strides = array<i32>} : memref<8x1024xf32, #tpu.memory_space<vmem>>, vector<1x16xf32>,
        %parallel_loop3A_322 = vector.shape_cast %parallel_loop3A_321 : vector<1x16xf32> to vector<16xf32>
        %parallel_loop3A_323 = vector.shape_cast %parallel_loop3A_318 : vector<16xf32> to vector<1x16xf32>
        tpu.vector_store %arg9[%parallel_loop3A_319, %parallel_loop3A_320], %parallel_loop3A_323 {add = true, strides = array<i32>} : memref<8x1024xf32, #tpu.memory_space<vmem>>, vector<1x16xf32>,
      } {sc.loop_unroll_factor = 8 : i64, sc.parallel_access}
      %mul3A_225 = arith.constant 8 : i32
      %mul3A_226 = arith.muli %add3A_199, %mul3A_225 : i32
      %add3A_227 = arith.addi %mul3A_32, %mul3A_226 : i32
      %dma_start3A_228 = arith.constant 0 : i32
      %dma_start3A_229 = tpu.memref_slice %arg5[%select_n3A, %add3A_227, %dma_start3A_228] : memref<4x2048x1024xf32, #tpu.memory_space<hbm>> -> memref<1x8x1024xf32, #tpu.memory_space<hbm>>
      %dma_start3A_230 = tpu.memref_squeeze %dma_start3A_229 : memref<1x8x1024xf32, #tpu.memory_space<hbm>> -> memref<8x1024xf32, #tpu.memory_space<hbm>>
      %dma_start3A_231 = arith.constant 0 : i32
      %dma_start3A_232 = tpu.memref_slice %arg5[%select_n3A, %add3A_227, %dma_start3A_231] : memref<4x2048x1024xf32, #tpu.memory_space<hbm>> -> memref<1x8x1024xf32, #tpu.memory_space<hbm>>
      %dma_start3A_233 = tpu.memref_squeeze %dma_start3A_232 : memref<1x8x1024xf32, #tpu.memory_space<hbm>> -> memref<8x1024xf32, #tpu.memory_space<hbm>>
      tpu.enqueue_dma source(%arg9 : memref<8x1024xf32, #tpu.memory_space<vmem>>) target(%dma_start3A_233 : memref<8x1024xf32, #tpu.memory_space<hbm>>) target_semaphore(%arg25 : memref<!tpu.dma_semaphore, #tpu.memory_space<semaphore_mem>>)
      %mul3A_234 = arith.constant 4 : i32
      %mul3A_235 = arith.muli %scan3A_124, %mul3A_234 : i32
      %add3A_236 = arith.constant 3 : i32
      %add3A_237 = arith.addi %mul3A_235, %add3A_236 : i32
      %ge3A_238 = arith.constant 1 : i32
      %ge3A_239 = arith.cmpi sge, %add3A_237, %ge3A_238 : i32
      %le3A_240 = arith.constant 28 : i32
      %le3A_241 = arith.cmpi sle, %add3A_237, %le3A_240 : i32
      %and3A_242 = arith.andi %ge3A_239, %le3A_241 : i1
      %convert_element_type3A_243 = arith.extui %and3A_242 : i1 to i32
      %cond3A_244 = arith.constant 0 : i32
      %cond3A_245 = arith.cmpi ne, %convert_element_type3A_243, %cond3A_244 : i32
      scf.if %cond3A_245 {
        %dma_wait3A_272 = arith.constant 0 : i32
        %dma_wait3A_273 = arith.constant 0 : i32
        %dma_wait3A_274 = arith.constant 0 : i32
        %dma_wait3A_275 = tpu.memref_slice %arg5[%dma_wait3A_272, %dma_wait3A_273, %dma_wait3A_274] : memref<4x2048x1024xf32, #tpu.memory_space<hbm>> -> memref<1x8x1024xf32, #tpu.memory_space<hbm>>
        %dma_wait3A_276 = tpu.memref_squeeze %dma_wait3A_275 : memref<1x8x1024xf32, #tpu.memory_space<hbm>> -> memref<8x1024xf32, #tpu.memory_space<hbm>>
        %dma_wait3A_277 = arith.constant 0 : i32
        %dma_wait3A_278 = arith.constant 0 : i32
        %dma_wait3A_279 = tpu.memref_slice %arg5[%dma_wait3A_272, %dma_wait3A_277, %dma_wait3A_278] : memref<4x2048x1024xf32, #tpu.memory_space<hbm>> -> memref<1x8x1024xf32, #tpu.memory_space<hbm>>
        %dma_wait3A_280 = tpu.memref_squeeze %dma_wait3A_279 : memref<1x8x1024xf32, #tpu.memory_space<hbm>> -> memref<8x1024xf32, #tpu.memory_space<hbm>>
        tpu.wait_dma2 semaphore(%arg25 : memref<!tpu.dma_semaphore, #tpu.memory_space<semaphore_mem>>) src(%dma_wait3A_280 : memref<8x1024xf32, #tpu.memory_space<hbm>>) dst(%arg9 : memref<8x1024xf32, #tpu.memory_space<vmem>>)
        %add3A_281 = arith.constant 3 : i32
        %add3A_282 = arith.addi %add3A_237, %add3A_281 : i32
        %mul3A_283 = arith.constant 8 : i32
        %mul3A_284 = arith.muli %add3A_282, %mul3A_283 : i32
        %add3A_285 = arith.addi %mul3A_32, %mul3A_284 : i32
        %dma_start3A_286 = arith.constant 0 : i32
        %dma_start3A_287 = tpu.memref_slice %arg2[%select_n3A, %add3A_285, %dma_start3A_286] : memref<4x2048x1024xf32, #tpu.memory_space<hbm>> -> memref<1x8x1024xf32, #tpu.memory_space<hbm>>
        %dma_start3A_288 = tpu.memref_squeeze %dma_start3A_287 : memref<1x8x1024xf32, #tpu.memory_space<hbm>> -> memref<8x1024xf32, #tpu.memory_space<hbm>>
        %dma_start3A_289 = arith.constant 0 : i32
        %dma_start3A_290 = tpu.memref_slice %arg2[%select_n3A, %add3A_285, %dma_start3A_289] : memref<4x2048x1024xf32, #tpu.memory_space<hbm>> -> memref<1x8x1024xf32, #tpu.memory_space<hbm>>
        %dma_start3A_291 = tpu.memref_squeeze %dma_start3A_290 : memref<1x8x1024xf32, #tpu.memory_space<hbm>> -> memref<8x1024xf32, #tpu.memory_space<hbm>>
        tpu.enqueue_dma source(%dma_start3A_291 : memref<8x1024xf32, #tpu.memory_space<hbm>>) target(%arg9 : memref<8x1024xf32, #tpu.memory_space<vmem>>) target_semaphore(%arg17 : memref<!tpu.dma_semaphore, #tpu.memory_space<semaphore_mem>>)
        %mul3A_292 = arith.constant 8 : i32
        %mul3A_293 = arith.muli %add3A_282, %mul3A_292 : i32
        %dma_start3A_294 = tpu.memref_slice %arg6[%mul3A_293] : memref<256xi32, #tpu.memory_space<vmem>> -> memref<8xi32, #tpu.memory_space<vmem>>
        %dma_start3A_295 = arith.constant 0 : i32
        %dma_start3A_296 = arith.constant 0 : i32
        %dma_start3A_297 = tpu.memref_slice %arg4[%dma_start3A_295, %dma_start3A_296] : memref<5000x1024xf32, #tpu.memory_space<hbm>> -> memref<5000x1024xf32, #tpu.memory_space<hbm>>
        tpu.enqueue_indirect_dma source(%dma_start3A_297 : memref<5000x1024xf32, #tpu.memory_space<hbm>>) target(%arg13 : memref<8x1024xf32, #tpu.memory_space<vmem>>) offsets(%dma_start3A_294 : memref<8xi32, #tpu.memory_space<vmem>>) semaphore(%arg21 : memref<!tpu.dma_semaphore, #tpu.memory_space<semaphore_mem>>)
      } else {
      }
      %dma_wait3A_246 = arith.constant 0 : i32
      %dma_wait3A_247 = arith.constant 0 : i32
      %dma_wait3A_248 = arith.constant 0 : i32
      %dma_wait3A_249 = tpu.memref_slice %arg2[%dma_wait3A_246, %dma_wait3A_247, %dma_wait3A_248] : memref<4x2048x1024xf32, #tpu.memory_space<hbm>> -> memref<1x8x1024xf32, #tpu.memory_space<hbm>>
      %dma_wait3A_250 = tpu.memref_squeeze %dma_wait3A_249 : memref<1x8x1024xf32, #tpu.memory_space<hbm>> -> memref<8x1024xf32, #tpu.memory_space<hbm>>
      %dma_wait3A_251 = arith.constant 0 : i32
      %dma_wait3A_252 = arith.constant 0 : i32
      %dma_wait3A_253 = tpu.memref_slice %arg2[%dma_wait3A_246, %dma_wait3A_251, %dma_wait3A_252] : memref<4x2048x1024xf32, #tpu.memory_space<hbm>> -> memref<1x8x1024xf32, #tpu.memory_space<hbm>>
      %dma_wait3A_254 = tpu.memref_squeeze %dma_wait3A_253 : memref<1x8x1024xf32, #tpu.memory_space<hbm>> -> memref<8x1024xf32, #tpu.memory_space<hbm>>
      tpu.wait_dma2 semaphore(%arg18 : memref<!tpu.dma_semaphore, #tpu.memory_space<semaphore_mem>>) src(%dma_wait3A_254 : memref<8x1024xf32, #tpu.memory_space<hbm>>) dst(%arg10 : memref<8x1024xf32, #tpu.memory_space<vmem>>)
      %dma_wait3A_255 = arith.constant 0 : i32
      %dma_wait3A_256 = tpu.memref_slice %arg6[%dma_wait3A_255] : memref<256xi32, #tpu.memory_space<vmem>> -> memref<8xi32, #tpu.memory_space<vmem>>
      %dma_wait3A_257 = arith.constant 0 : i32
      %dma_wait3A_258 = arith.constant 0 : i32
      %dma_wait3A_259 = tpu.memref_slice %arg4[%dma_wait3A_257, %dma_wait3A_258] : memref<5000x1024xf32, #tpu.memory_space<hbm>> -> memref<5000x1024xf32, #tpu.memory_space<hbm>>
      tpu.wait_indirect_dma semaphore(%arg22 : memref<!tpu.dma_semaphore, #tpu.memory_space<semaphore_mem>>) src(%dma_wait3A_259 : memref<5000x1024xf32, #tpu.memory_space<hbm>>) dst(%arg14 : memref<8x1024xf32, #tpu.memory_space<vmem>>)
      %parallel_loop3A_260 = arith.constant 0 : i32
      %parallel_loop3A_261 = arith.constant 512 : i32
      %parallel_loop3A_262 = arith.constant 1 : i32
      scf.for %parallel_loop3A_272 = %parallel_loop3A_260 to %parallel_loop3A_261 step %parallel_loop3A_262  : i32 {
        %parallel_loop3A_273 = arith.constant 64 : i32
        %parallel_loop3A_274 = arith.divsi %parallel_loop3A_272, %parallel_loop3A_273 : i32
        %parallel_loop3A_275 = arith.constant 0 : i32
        %parallel_loop3A_276 = arith.cmpi sgt, %parallel_loop3A_272, %parallel_loop3A_275 : i32
        %parallel_loop3A_277 = arith.extui %parallel_loop3A_276 : i1 to i32
        %parallel_loop3A_278 = arith.constant 0 : i32
        %parallel_loop3A_279 = arith.cmpi slt, %parallel_loop3A_272, %parallel_loop3A_278 : i32
        %parallel_loop3A_280 = arith.extui %parallel_loop3A_279 : i1 to i32
        %parallel_loop3A_281 = arith.subi %parallel_loop3A_277, %parallel_loop3A_280 : i32
        %parallel_loop3A_282 = arith.constant 0 : i32
        %parallel_loop3A_283 = arith.cmpi sgt, %parallel_loop3A_273, %parallel_loop3A_282 : i32
        %parallel_loop3A_284 = arith.extui %parallel_loop3A_283 : i1 to i32
        %parallel_loop3A_285 = arith.constant 0 : i32
        %parallel_loop3A_286 = arith.cmpi slt, %parallel_loop3A_273, %parallel_loop3A_285 : i32
        %parallel_loop3A_287 = arith.extui %parallel_loop3A_286 : i1 to i32
        %parallel_loop3A_288 = arith.subi %parallel_loop3A_284, %parallel_loop3A_287 : i32
        %parallel_loop3A_289 = arith.cmpi ne, %parallel_loop3A_281, %parallel_loop3A_288 : i32
        %parallel_loop3A_290 = arith.remsi %parallel_loop3A_272, %parallel_loop3A_273 : i32
        %parallel_loop3A_291 = arith.constant 0 : i32
        %parallel_loop3A_292 = arith.cmpi ne, %parallel_loop3A_290, %parallel_loop3A_291 : i32
        %parallel_loop3A_293 = arith.andi %parallel_loop3A_289, %parallel_loop3A_292 : i1
        %parallel_loop3A_294 = arith.constant 1 : i32
        %parallel_loop3A_295 = arith.subi %parallel_loop3A_274, %parallel_loop3A_294 : i32
        %parallel_loop3A_296 = arith.select %parallel_loop3A_293, %parallel_loop3A_295, %parallel_loop3A_274 : i32
        %parallel_loop3A_297 = arith.constant 64 : i32
        %parallel_loop3A_298 = arith.constant 0 : i32
        %parallel_loop3A_299 = arith.cmpi eq, %parallel_loop3A_297, %parallel_loop3A_298 : i32
        %parallel_loop3A_300 = arith.constant 1 : i32
        %parallel_loop3A_301 = arith.select %parallel_loop3A_299, %parallel_loop3A_300, %parallel_loop3A_297 : i32
        %parallel_loop3A_302 = arith.remsi %parallel_loop3A_272, %parallel_loop3A_301 : i32
        %parallel_loop3A_303 = arith.constant 0 : i32
        %parallel_loop3A_304 = arith.cmpi ne, %parallel_loop3A_302, %parallel_loop3A_303 : i32
        %parallel_loop3A_305 = arith.constant 0 : i32
        %parallel_loop3A_306 = arith.cmpi slt, %parallel_loop3A_302, %parallel_loop3A_305 : i32
        %parallel_loop3A_307 = arith.constant 0 : i32
        %parallel_loop3A_308 = arith.cmpi slt, %parallel_loop3A_301, %parallel_loop3A_307 : i32
        %parallel_loop3A_309 = arith.xori %parallel_loop3A_306, %parallel_loop3A_308 : i1
        %parallel_loop3A_310 = arith.andi %parallel_loop3A_309, %parallel_loop3A_304 : i1
        %parallel_loop3A_311 = arith.addi %parallel_loop3A_302, %parallel_loop3A_301 : i32
        %parallel_loop3A_312 = arith.select %parallel_loop3A_310, %parallel_loop3A_311, %parallel_loop3A_302 : i32
        %parallel_loop3A_313 = arith.constant 16 : i32
        %parallel_loop3A_314 = arith.muli %parallel_loop3A_312, %parallel_loop3A_313 : i32
        %parallel_loop3A_315 = arith.index_cast %parallel_loop3A_296 : i32 to index
        %parallel_loop3A_316 = arith.index_cast %parallel_loop3A_314 : i32 to index
        %parallel_loop3A_317 = tpu.vector_load %arg14[%parallel_loop3A_315, %parallel_loop3A_316] {strides = array<i32>} : memref<8x1024xf32, #tpu.memory_space<vmem>>, vector<1x16xf32>,
        %parallel_loop3A_318 = vector.shape_cast %parallel_loop3A_317 : vector<1x16xf32> to vector<16xf32>
        %parallel_loop3A_319 = arith.index_cast %parallel_loop3A_296 : i32 to index
        %parallel_loop3A_320 = arith.index_cast %parallel_loop3A_314 : i32 to index
        %parallel_loop3A_321 = tpu.vector_load %arg10[%parallel_loop3A_319, %parallel_loop3A_320] {strides = array<i32>} : memref<8x1024xf32, #tpu.memory_space<vmem>>, vector<1x16xf32>,
        %parallel_loop3A_322 = vector.shape_cast %parallel_loop3A_321 : vector<1x16xf32> to vector<16xf32>
        %parallel_loop3A_323 = vector.shape_cast %parallel_loop3A_318 : vector<16xf32> to vector<1x16xf32>
        tpu.vector_store %arg10[%parallel_loop3A_319, %parallel_loop3A_320], %parallel_loop3A_323 {add = true, strides = array<i32>} : memref<8x1024xf32, #tpu.memory_space<vmem>>, vector<1x16xf32>,
      } {sc.loop_unroll_factor = 8 : i64, sc.parallel_access}
      %mul3A_263 = arith.constant 8 : i32
      %mul3A_264 = arith.muli %add3A_237, %mul3A_263 : i32
      %add3A_265 = arith.addi %mul3A_32, %mul3A_264 : i32
      %dma_start3A_266 = arith.constant 0 : i32
      %dma_start3A_267 = tpu.memref_slice %arg5[%select_n3A, %add3A_265, %dma_start3A_266] : memref<4x2048x1024xf32, #tpu.memory_space<hbm>> -> memref<1x8x1024xf32, #tpu.memory_space<hbm>>
      %dma_start3A_268 = tpu.memref_squeeze %dma_start3A_267 : memref<1x8x1024xf32, #tpu.memory_space<hbm>> -> memref<8x1024xf32, #tpu.memory_space<hbm>>
      %dma_start3A_269 = arith.constant 0 : i32
      %dma_start3A_270 = tpu.memref_slice %arg5[%select_n3A, %add3A_265, %dma_start3A_269] : memref<4x2048x1024xf32, #tpu.memory_space<hbm>> -> memref<1x8x1024xf32, #tpu.memory_space<hbm>>
      %dma_start3A_271 = tpu.memref_squeeze %dma_start3A_270 : memref<1x8x1024xf32, #tpu.memory_space<hbm>> -> memref<8x1024xf32, #tpu.memory_space<hbm>>
      tpu.enqueue_dma source(%arg10 : memref<8x1024xf32, #tpu.memory_space<vmem>>) target(%dma_start3A_271 : memref<8x1024xf32, #tpu.memory_space<hbm>>) target_semaphore(%arg26 : memref<!tpu.dma_semaphore, #tpu.memory_space<semaphore_mem>>)
    }
    %scan3A_88 = arith.constant 8 : i32
    %dma_wait3A = arith.constant 0 : i32
    %dma_wait3A_89 = arith.constant 0 : i32
    %dma_wait3A_90 = arith.constant 0 : i32
    %dma_wait3A_91 = tpu.memref_slice %arg5[%dma_wait3A, %dma_wait3A_89, %dma_wait3A_90] : memref<4x2048x1024xf32, #tpu.memory_space<hbm>> -> memref<1x8x1024xf32, #tpu.memory_space<hbm>>
    %dma_wait3A_92 = tpu.memref_squeeze %dma_wait3A_91 : memref<1x8x1024xf32, #tpu.memory_space<hbm>> -> memref<8x1024xf32, #tpu.memory_space<hbm>>
    %dma_wait3A_93 = arith.constant 0 : i32
    %dma_wait3A_94 = arith.constant 0 : i32
    %dma_wait3A_95 = tpu.memref_slice %arg5[%dma_wait3A, %dma_wait3A_93, %dma_wait3A_94] : memref<4x2048x1024xf32, #tpu.memory_space<hbm>> -> memref<1x8x1024xf32, #tpu.memory_space<hbm>>
    %dma_wait3A_96 = tpu.memref_squeeze %dma_wait3A_95 : memref<1x8x1024xf32, #tpu.memory_space<hbm>> -> memref<8x1024xf32, #tpu.memory_space<hbm>>
    tpu.wait_dma2 semaphore(%arg23 : memref<!tpu.dma_semaphore, #tpu.memory_space<semaphore_mem>>) src(%dma_wait3A_96 : memref<8x1024xf32, #tpu.memory_space<hbm>>) dst(%arg7 : memref<8x1024xf32, #tpu.memory_space<vmem>>)
    %dma_wait3A_97 = arith.constant 0 : i32
    %dma_wait3A_98 = arith.constant 0 : i32
    %dma_wait3A_99 = arith.constant 0 : i32
    %dma_wait3A_100 = tpu.memref_slice %arg5[%dma_wait3A_97, %dma_wait3A_98, %dma_wait3A_99] : memref<4x2048x1024xf32, #tpu.memory_space<hbm>> -> memref<1x8x1024xf32, #tpu.memory_space<hbm>>
    %dma_wait3A_101 = tpu.memref_squeeze %dma_wait3A_100 : memref<1x8x1024xf32, #tpu.memory_space<hbm>> -> memref<8x1024xf32, #tpu.memory_space<hbm>>
    %dma_wait3A_102 = arith.constant 0 : i32
    %dma_wait3A_103 = arith.constant 0 : i32
    %dma_wait3A_104 = tpu.memref_slice %arg5[%dma_wait3A_97, %dma_wait3A_102, %dma_wait3A_103] : memref<4x2048x1024xf32, #tpu.memory_space<hbm>> -> memref<1x8x1024xf32, #tpu.memory_space<hbm>>
    %dma_wait3A_105 = tpu.memref_squeeze %dma_wait3A_104 : memref<1x8x1024xf32, #tpu.memory_space<hbm>> -> memref<8x1024xf32, #tpu.memory_space<hbm>>
    tpu.wait_dma2 semaphore(%arg24 : memref<!tpu.dma_semaphore, #tpu.memory_space<semaphore_mem>>) src(%dma_wait3A_105 : memref<8x1024xf32, #tpu.memory_space<hbm>>) dst(%arg8 : memref<8x1024xf32, #tpu.memory_space<vmem>>)
    %dma_wait3A_106 = arith.constant 0 : i32
    %dma_wait3A_107 = arith.constant 0 : i32
    %dma_wait3A_108 = arith.constant 0 : i32
    %dma_wait3A_109 = tpu.memref_slice %arg5[%dma_wait3A_106, %dma_wait3A_107, %dma_wait3A_108] : memref<4x2048x1024xf32, #tpu.memory_space<hbm>> -> memref<1x8x1024xf32, #tpu.memory_space<hbm>>
    %dma_wait3A_110 = tpu.memref_squeeze %dma_wait3A_109 : memref<1x8x1024xf32, #tpu.memory_space<hbm>> -> memref<8x1024xf32, #tpu.memory_space<hbm>>
    %dma_wait3A_111 = arith.constant 0 : i32
    %dma_wait3A_112 = arith.constant 0 : i32
    %dma_wait3A_113 = tpu.memref_slice %arg5[%dma_wait3A_106, %dma_wait3A_111, %dma_wait3A_112] : memref<4x2048x1024xf32, #tpu.memory_space<hbm>> -> memref<1x8x1024xf32, #tpu.memory_space<hbm>>
    %dma_wait3A_114 = tpu.memref_squeeze %dma_wait3A_113 : memref<1x8x1024xf32, #tpu.memory_space<hbm>> -> memref<8x1024xf32, #tpu.memory_space<hbm>>
    tpu.wait_dma2 semaphore(%arg25 : memref<!tpu.dma_semaphore, #tpu.memory_space<semaphore_mem>>) src(%dma_wait3A_114 : memref<8x1024xf32, #tpu.memory_space<hbm>>) dst(%arg9 : memref<8x1024xf32, #tpu.memory_space<vmem>>)
    %dma_wait3A_115 = arith.constant 0 : i32
    %dma_wait3A_116 = arith.constant 0 : i32
    %dma_wait3A_117 = arith.constant 0 : i32
    %dma_wait3A_118 = tpu.memref_slice %arg5[%dma_wait3A_115, %dma_wait3A_116, %dma_wait3A_117] : memref<4x2048x1024xf32, #tpu.memory_space<hbm>> -> memref<1x8x1024xf32, #tpu.memory_space<hbm>>
    %dma_wait3A_119 = tpu.memref_squeeze %dma_wait3A_118 : memref<1x8x1024xf32, #tpu.memory_space<hbm>> -> memref<8x1024xf32, #tpu.memory_space<hbm>>
    %dma_wait3A_120 = arith.constant 0 : i32
    %dma_wait3A_121 = arith.constant 0 : i32
    %dma_wait3A_122 = tpu.memref_slice %arg5[%dma_wait3A_115, %dma_wait3A_120, %dma_wait3A_121] : memref<4x2048x1024xf32, #tpu.memory_space<hbm>> -> memref<1x8x1024xf32, #tpu.memory_space<hbm>>
    %dma_wait3A_123 = tpu.memref_squeeze %dma_wait3A_122 : memref<1x8x1024xf32, #tpu.memory_space<hbm>> -> memref<8x1024xf32, #tpu.memory_space<hbm>>
    tpu.wait_dma2 semaphore(%arg26 : memref<!tpu.dma_semaphore, #tpu.memory_space<semaphore_mem>>) src(%dma_wait3A_123 : memref<8x1024xf32, #tpu.memory_space<hbm>>) dst(%arg10 : memref<8x1024xf32, #tpu.memory_space<vmem>>)
    return
  }
}

</mosaic_0001>

<sc_bundles>
// kernel: _sc_call.3.cloned.1.call-start
scs
__scs_entry_jumppad:
0x0: {  	(pc) =	sbr.rel $0x88, $3  }
0x1: {  	(tag) =	ssettag $0x0;
	lr =	simm.s32 $0x1  }
0x2: {  	[smem:$0x3F9E] =	sst lr;
	_ =	strace $0xD0000000  }
0x3: {  	_ = 	snop  }
0x4: {  	_ = 	snop  }
0x5: {  	_ = 	snop  }
0x6: {  	_ = 	snop  }
0x7: {  	_ = 	snop  }
__scs_overlays_trampoline_lowered:
0x8: {  	[smem:$0x3FAD] =	sst s0  }
0x9: {  	[smem:$0x3FAE] =	sst s1  }
0xa: {  	[smem:$0x3FAF] =	sst s2  }
0xb: {  	[smem:$0x3FB0] =	sst s3  }
0xc: {  	[smem:$0x3FB1] =	sst s4  }
0xd: {  	[smem:$0x3FB2] =	sst s5  }
0xe: {  	[smem:$0x3FB3] =	sst s6  }
0xf: {  	[smem:$0x3FB4] =	sst s7  }
0x10: {  	[smem:$0x3FB5] =	sst s8  }
0x11: {  	[smem:$0x3FB6] =	sst s9;
	s0 =	simm.s32 @!p0 $0x0  }
0x12: {  	s1 =	sld [smem:$0x3F9C];
	s0 =	simm.s32 @p0 $0x1  }
0x13: {  	[smem:$0x3FB7] =	sst s0;
	s0 =	simm.s32 @!p1 $0x0  }
0x14: {  	s2 =	sld [smem:$0x3F9B];
	s0 =	simm.s32 @p1 $0x1  }
0x15: {  	[smem:$0x3FB8] =	sst s0;
	s0 =	simm.s32 @!p2 $0x0  }
0x16: {  	s3 =	sld [smem:$0x3FDB];
	s0 =	simm.s32 @p2 $0x1  }
0x17: {  	s4 =	simm.s32 $0x1BF5;
	[smem:$0x3FBA] =	sst s0  }
0x18: {  	s0 =	sld [smem:$0x3F9D];
	_ =	swait.ge [sflag:s4], $0x0  }
0x19: {  	s7 =	sld [smem:$0x3F9E]  }
0x1a: {  	s8 =	sadd.s32 $0xFFFFE003, lr  }
0x1b: {  	s9 =	sadd.s32 $0xFFFFFEF7, lr;
	s5 =	simm.s32 $0xFFFFFFFF;
	p2 =	slt.u32 s8, $0xFFFFF086  }
0x1c: {  	p1 =	slt.u32 s9, $0xF7A;
	s5 =	simm.s32 @!p2 $0x0  }
0x1d: {  	s5 =	simm.s32 @p1 $0x1;
	p0 =	seq.s32 s7, s2  }
0x1e: {  	s7 =	smul.u32 @!p0 $0xF7A, s2;
	p2 =	seq.s32 @!p0 s5, $0x0  }
0x1f: {  	s9 =	smul.u32 $0xF7A, s1;
	s8 =	simm.s32 @!p0 $0x1BF5;
	p2 =	por !p2, p0  }
0x20: {  	[sflag:s8] =	ssyncset.s32 @!p0 $0xFFFFF086;
	s6 =	sadd.s32 @!p0 s3, s7;
	s7 =	simm.s32 @!p0 $0x108  }
0x21: {  	s3 =	sadd.s32 s3, s9;
	s6 =	sadd.s32 @!p0 $0x88, s6;
	s7 =	simm.s32 @p2 $0x1082  }
0x22: {  	[simem:s7], [sflag:s8] =	dma.local @!p0 [hbm:s6], $0xF7A  }
0x23: {  	s9 =	sor.u32 $0xD0000000, s2;
	s6 =	simm.s32 $0x108;
	_ =	swait.ge @!p0 [sflag:s8], $0x0  }
0x24: {  	s3 =	sadd.s32 $0x88, s3;
	s6 =	simm.s32 @!p1 $0x1082;
	[sflag:s4] =	ssyncset.s32 $0xFFFFF086  }
0x25: {  	[simem:s6], [sflag:s4] =	dma.local [hbm:s3], $0xF7A  }
0x26: {  	[smem:$0x3F9E] =	sst s1;
	(tag) =	ssettag s2;
	_ =	strace s9  }
0x27: {  	s1 =	sld [smem:$0x3FAE]  }
0x28: {  	s2 =	sld [smem:$0x3FAF]  }
0x29: {  	s4 =	sld [smem:$0x3FB1]  }
0x2a: {  	p0 =	seq.s32 s5, $0x0;
	s5 =	sld [smem:$0x3FB2]  }
0x2b: {  	s6 =	sld [smem:$0x3FB3]  }
0x2c: {  	s7 =	sld [smem:$0x3FB4]  }
0x2d: {  	s3 =	simm.s32 $0x108;
	s8 =	sld [smem:$0x3FB5]  }
0x2e: {  	s3 =	simm.s32 @!p0 $0x1082;
	s9 =	sld [smem:$0x3FB6]  }
0x2f: {  	lr =	sadd.s32 s0, s3;
	s0 =	sld [smem:$0x3FAD]  }
0x30: {  	s3 =	sld [smem:$0x3FB0]  }
0x31: {  	[smem:$0x3FB9] =	sst s10  }
0x32: {  	s10 =	sld [smem:$0x3FB7];
	_ =	sdelay $0x3  }
0x33: {  	p0 =	seq.s32 s10, $0x1;
	s10 =	sld [smem:$0x3FB9];
	_ =	sdelay $0x3  }
0x34: {  	[smem:$0x3FB9] =	sst s10  }
0x35: {  	s10 =	sld [smem:$0x3FB8];
	_ =	sdelay $0x3  }
0x36: {  	p1 =	seq.s32 s10, $0x1;
	s10 =	sld [smem:$0x3FB9];
	_ =	sdelay $0x3  }
0x37: {  	[smem:$0x3FB9] =	sst s10  }
0x38: {  	s10 =	sld [smem:$0x3FBA]  }
0x39: {  	_ = 	snop;
	(pc) =	sbr.ind lr, $3  }
0x3a: {  	_ = 	snop  }
0x3b: {  	_ = 	snop  }
0x3c: {  	p2 =	seq.s32 s10, $0x1;
	s10 =	sld [smem:$0x3FB9]  }
0x3d: {  	_ =	shalt  }
0x3e: {  	_ =	shalt  }
0x3f: {  	_ =	shalt  }
0x40: {  	_ =	shalt  }
0x41: {  	_ =	shalt  }
0x42: {  	_ =	shalt  }
0x43: {  	_ =	shalt  }
0x44: {  	_ =	shalt  }
0x45: {  	_ =	shalt  }
0x46: {  	_ =	shalt  }
0x47: {  	_ =	shalt  }
0x48: {  	_ =	shalt  }
0x49: {  	_ =	shalt  }
0x4a: {  	_ =	shalt  }
0x4b: {  	_ =	shalt  }
0x4c: {  	_ =	shalt  }
0x4d: {  	_ =	shalt  }
0x4e: {  	_ =	shalt  }
0x4f: {  	_ =	shalt  }
0x50: {  	_ =	shalt  }
0x51: {  	_ =	shalt  }
0x52: {  	_ =	shalt  }
0x53: {  	_ =	shalt  }
0x54: {  	_ =	shalt  }
0x55: {  	_ =	shalt  }
0x56: {  	_ =	shalt  }
0x57: {  	_ =	shalt  }
0x58: {  	_ =	shalt  }
0x59: {  	_ =	shalt  }
0x5a: {  	_ =	shalt  }
0x5b: {  	_ =	shalt  }
0x5c: {  	_ =	shalt  }
0x5d: {  	_ =	shalt  }
0x5e: {  	_ =	shalt  }
0x5f: {  	_ =	shalt  }
0x60: {  	_ =	shalt  }
0x61: {  	_ =	shalt  }
0x62: {  	_ =	shalt  }
0x63: {  	_ =	shalt  }
0x64: {  	_ =	shalt  }
0x65: {  	_ =	shalt  }
0x66: {  	_ =	shalt  }
0x67: {  	_ =	shalt  }
0x68: {  	_ =	shalt  }
0x69: {  	_ =	shalt  }
0x6a: {  	_ =	shalt  }
0x6b: {  	_ =	shalt  }
0x6c: {  	_ =	shalt  }
0x6d: {  	_ =	shalt  }
0x6e: {  	_ =	shalt  }
0x6f: {  	_ =	shalt  }
0x70: {  	_ =	shalt  }
0x71: {  	_ =	shalt  }
0x72: {  	_ =	shalt  }
0x73: {  	_ =	shalt  }
0x74: {  	_ =	shalt  }
0x75: {  	_ =	shalt  }
0x76: {  	_ =	shalt  }
0x77: {  	_ =	shalt  }
0x78: {  	_ =	shalt  }
0x79: {  	_ =	shalt  }
0x7a: {  	_ =	shalt  }
0x7b: {  	_ =	shalt  }
0x7c: {  	_ =	shalt  }
0x7d: {  	_ =	shalt  }
0x7e: {  	_ =	shalt  }
0x7f: {  	_ =	shalt  }
0x80: {  	_ =	shalt  }
0x81: {  	_ =	shalt  }
0x82: {  	_ =	shalt  }
0x83: {  	_ =	shalt  }
0x84: {  	_ =	shalt  }
0x85: {  	_ =	shalt  }
0x86: {  	_ =	shalt  }
0x87: {  	_ =	shalt  }
.Lfunc_end0:
.L_simem_size_0:
called_computation_lowered:
.L_overlay_start_0:
0x88: {  	s2 =	sld [smem:$0x3FD9]  }
0x89: {  	s3 =	sld [smem:$0x3FFE];
	_ =	sdelay $0x1  }
0x8a: {  	s1 =	srdreg.scid  }
0x8b: {  	s0 =	sand.u32 $0x1, s1  }
0x8c: {  	s18 =	sshll.u32 s0, $0xA;
	s2 =	sadd.s32 s3, s2  }
0x8d: {  	s2 =	sadd.s32 s2, s18  }
0x8e: {  	[smem:$0x3FC5] =	sst s2  }
0x8f: {  	_ = 	snop  }
0x90: {  	s2 =	sld [smem:$0x3FC9]  }
0x91: {  	s19 =	sld [smem:$0x3FC8]  }
0x92: {  	s4 =	sld [smem:$0x3FC7]  }
0x93: {  	s5 =	sld [smem:$0x3FD0];
	(tm) =	ssettm $0x1  }
0x94: {  	s6 =	sld [smem:$0x3FFB];
	_ =	sdelay $0x3  }
0x95: {  	_ =	strace s6  }
0x96: {  	s6 =	sld [smem:$0x3FFC];
	_ =	sdelay $0x3  }
0x97: {  	_ =	strace s6  }
0x98: {  	s6 =	sld [smem:$0x3FFD];
	_ =	sdelay $0x3  }
0x99: {  	_ =	strace s6  }
0x9a: {  	_ =	strace $0x8FFFFFFF  }
0x9b: {  	s20 =	sld [smem:$0x3FDB];
	_ =	sdelay $0x1  }
0x9c: {  	s7 =	simm.s32 $_scs_section_size  }
0x9d: {  	s8 =	simm.s32 $_size__tile_overlayer_lowered;
	s9 =	simm.s32 $_tile_overlayer_lowered  }
0x9e: {  	s23 =	simm.s32 $0x1BFF;
	s22 =	sshll.u32 s9, $0x1;
	s6 =	sadd.s32 s7, s20  }
0x9f: {  	s10 =	simm.s32 $0x0;
	s21 =	sshll.u32 s8, $0x1;
	s8 =	sadd.s32 s22, s6  }
0xa0: {  	[timem:s10], [sflag:s23] =	dma.local [hbm:s8], s21  }
0xa1: {  	_ =	swait.ge [sflag:s23], s21  }
0xa2: {  	s7 =	ssub.s32 $0x0, s21;
	[sflag:s23] =	ssyncset.done $0x0  }
0xa3: {  	[sflag:s23] =	ssyncadd.s32 s7;
	_ =	sdelay $0x1  }
0xa4: {  	s24 =	simm.s32 $0x1B8B  }
0xa5: {  	_ =	swait.ge [sflag:s24], $0x1  }
0xa6: {  	[sflag:s24] =	ssyncset.done $0x0  }
0xa7: {  	s25 =	simm.s32 $0x1B8E;
	[sflag:s24] =	ssyncadd.s32 $0xFFFFFFFF  }
0xa8: {  	s26 =	simm.s32 $execute0_lowered;
	[smem:$0x3FD2] =	sst s25  }
0xa9: {  	s7 =	sshll.u32 s26, $0x1;
	_ =	strace $0x80000046;
	[dreg:$0x1] =	wrdreg $0xFFFFFFFF  }
0xaa: {  	s28 =	simm.s32 $_size_execute0_lowered;
	s6 =	sadd.s32 s6, s7;
	[dreg:$0x0] =	wrdreg $0x0  }
0xab: {  	s7 =	sshll.u32 s28, $0x1;
	[dreg:$0x2] =	wrdreg s6  }
0xac: {  	[dreg:$0x3] =	wrdreg s7  }
0xad: {  	[dreg:$0x4] =	wrdreg $0xC0  }
0xae: {  	_ =	task [dreg:s10], $0x5FFFF  }
0xaf: {  	[dreg:$0x1] =	wrdreg $0xFFFFFFFF  }
0xb0: {  	[dreg:$0x0] =	wrdreg $0x60  }
0xb1: {  	[dreg:$0x2] =	wrdreg s2  }
0xb2: {  	[dreg:$0x3] =	wrdreg s19  }
0xb3: {  	[dreg:$0x4] =	wrdreg s4  }
0xb4: {  	[dreg:$0x5] =	wrdreg s5  }
0xb5: {  	[dreg:$0x6] =	wrdreg $0x9  }
0xb6: {  	_ =	task.clear_ibuf [dreg:s10], $0x7FFFF;
	_ =	strace $0x90000046  }
0xb7: {  	s29 =	simm.s32 $0x9;
	_ =	strace $0x80000048  }
0xb8: {  	_ =	swait.ge [sflag:s29], $0x1  }
0xb9: {  	[sflag:s29] =	ssyncadd.s32 $0xFFFFFFFF  }
0xba: {  	_ =	strace $0x90000048  }
0xbb: {  	_ =	sfence  }
0xbc: {  	s30 =	sld [smem:$0x0];
	_ =	sdelay $0x2  }
0xbd: {  	s31 =	sshll.u32 s1, $0xD;
	s1 =	sshrl.u32 s1, $0x2  }
0xbe: {  	s3 =	sand.u32 $0x4000, s31;
	s1 =	sadd.s32 s1, s30  }
0xbf: {  	s0 =	sor.u32 s3, s0;
	s1 =	sshll.u32 s1, $0x11  }
0xc0: {  	s0 =	sor.u32 s1, s0  }
0xc1: {  	s0 =	sadd.s32 $0x8F2B, s0  }
0xc2: {  	[sflag:s0] =	ssyncadd.remote.s32 $0x1  }
0xc3: {  	_ =	sfence.sel $0xFFFF  }
0xc4: {  	[dreg:$0x0] =	wrdreg $0xFFFFFFFF;
	(pc) =	sbr.abs _section_cstart, $3  }
0xc5: {  	[dreg:$0x1] =	wrdreg $0xFFFFFFFF  }
0xc6: {  	_ =	task.clear_ibuf [dreg:s10], $0x2FFFF;
	_ =	strace $0x9FFFFFFF  }
0xc7: {  	(tm) =	ssettm $0x7FFFFFFF  }
tec
execute0_lowered:
.L_overlay_start_1:
0x0: {  	(tag) =	ssettag $0x1  }
0x1: {  	s1 =	rddreg [dreg:$0x0]  }
0x2: {  	s0 =	rddreg [dreg:$0x1]  }
0x3: {  	s2 =	rddreg [dreg:$0x2]  }
0x4: {  	s4 =	rddreg [dreg:$0x3]  }
0x5: {  	s5 =	simm.s32 $0x0;
	s3 =	srdreg.scid;
	s9 =	stileid.u32  }
0x6: {  	s30 =	simm.s32 $0x1;
	s31 =	simm.s32 $0x5;
	s18 =	simm.s32 $0x6  }
0x7: {  	s19 =	simm.s32 $0x3;
	s22 =	simm.s32 $0x7;
	s14 =	simm.s32 $0x0  }
0x8: {  	[smem:$0x7FF] =	sst s5;
	s3 =	sand.u32 $0x1, s3;
	s6 =	sshll.u32 s9, $0x1  }
0x9: {  	s9 =	sshrl.u32 s9, $0x2;
	s11 =	sadd.s32 $0x100, s2;
	s12 =	sadd.s32 $0x200, s2  }
0xa: {  	s13 =	sadd.s32 $0x300, s2;
	s7 =	ssub.s32 $0x2, s3;
	s6 =	sand.u32 $0x6, s6  }
0xb: {  	s8 =	sshrl.u32 s7, $0x1;
	s3 =	sor.u32 s3, s6;
	s6 =	sshll.u32 s9, $0x15  }
0xc: {  	s9 =	sshll.u32 s9, $0x4;
	s10 =	ssub.s32 s7, s8;
	s23 =	sshll.u32 s3, $0x12  }
0xd: {  	s7 =	sshll.u32 s3, $0x8;
	s3 =	sshll.u32 s3, $0x7;
	s0 =	sadd.s32 s0, s9  }
0xe: {  	_ =	strace $0x80000047;
	s8 =	sor.u32 s6, s23;
	s0 =	sadd.s32 s3, s0  }
0xf: {  	s29 =	smax.u32 s10, $0x1;
	s24 =	sshrl.u32 s8, $0x3;
	[dreg:$0x5] =	wrdreg s0  }
0x10: {  	s23 =	simm.s32 $0x6100;
	[dreg:$0xa] =	wrdreg s29;
	s25 =	sadd.s32 s1, s24  }
0x11: {  	s3 =	simm.s32 $0x2;
	s26 =	sadd.s32 $0x400, s25;
	[dreg:$0x6] =	wrdreg s25  }
0x12: {  	v0 =	vlaneseq.u32;
	s24 =	simm.s32 $0x4;
	s28 =	sadd.s32 $0x800, s25;
	[dreg:$0x7] =	wrdreg s26  }
0x13: {  	v1 =	vshrl.u32 v0, $0x3;
	s0 =	sadd.s32 $0xC00, s25;
	s25 =	simm.s32 $0x8;
	[dreg:$0x8] =	wrdreg s28  }
0x14: {  	vm0 =	vmmov $0xffff;
	v0 =	vand.u32 $0x7, v0;
	v1 =	vmul.u32 $0x8, v1;
	[dreg:$0x9] =	wrdreg s0;
	s26 =	simm.s32 $0x2100;
	s0 =	simm.s32 $0x4100  }
.LBB2_1:
0x15: {  	[dreg:$0xb] =	wrdreg s14  }
0x16: {  	s9 =	rddreg [dreg:$0x5]  }
0x17: {  	s10 =	simm.s32 $0x80;
	s17 =	simm.s32 $0x200;
	s20 =	simm.s32 $0xD  }
0x18: {  	[tilespmem:s5], [sflag:$0xD] =	stream.strided.gather [hbm4b:s9+s10], $0x100, s17, s10, $0x38;
	[tilespmem:$0x10100] =	vst v63  }
0x19: {  	_ =	swait.ge [sflag:s20], $0x100  }
0x1a: {  	[sflag:s20] =	ssyncset.done $0x0  }
0x1b: {  	s28 =	simm.s32 $0x100;
	s21 =	rddreg [dreg:$0x6];
	[sflag:s20] =	ssyncadd.s32 $0xFFFFFF00  }
0x1c: {  	[tilespmem:s28], [sflag:$0x1] =	stream.linear.gather [hbm4b:s21+s5], $0x2000, $0x38;
	[tilespmem:$0x10100] =	vst v63  }
0x1d: {  	v2 =	vld.msk [tilespmem:$0x0], $0xff;
	_ =	sdelay $0x4  }
0x1e: {  	v3 =	vshll.u32 v2, $0x3  }
0x1f: {  	v2 =	vand.u32 $0x7, v2;
	v3 =	vand.u32 $0xFFFFFFC0, v3  }
0x20: {  	v2 =	vor.u32 v2, v3  }
0x21: {  	v2 =	vperm.xlane v2, v0;
	_ =	sdelay $0x1  }
0x22: {  	v2 =	vadd.s32 v1, v2;
	_ =	sdelay $0x3  }
0x23: {  	s29 =	simm.s32 $0x8100  }
0x24: {  	[tilespmem:s29], [sflag:$0x5] =	stream.indirect_vreg.gather [hbm4b:s2+s5], $0x80, v2, vm0, $0xb8;
	[tilespmem:$0x10100] =	vst v63  }
0x25: {  	s10 =	simm.s32 $0x8900  }
0x26: {  	[tilespmem:s10], [sflag:$0x5] =	stream.indirect_vreg.gather [hbm4b:s11+s5], $0x80, v2, vm0, $0xb8;
	[tilespmem:$0x10100] =	vst v63  }
0x27: {  	s14 =	simm.s32 $0x9100  }
0x28: {  	[tilespmem:s14], [sflag:$0x5] =	stream.indirect_vreg.gather [hbm4b:s12+s5], $0x80, v2, vm0, $0xb8;
	[tilespmem:$0x10100] =	vst v63  }
0x29: {  	s15 =	simm.s32 $0x9900  }
0x2a: {  	[tilespmem:s15], [sflag:$0x5] =	stream.indirect_vreg.gather [hbm4b:s13+s5], $0x80, v2, vm0, $0xb8;
	[tilespmem:$0x10100] =	vst v63  }
0x2b: {  	s16 =	rddreg [dreg:$0x7]  }
0x2c: {  	[tilespmem:s26], [sflag:$0x2] =	stream.linear.gather [hbm4b:s16+s5], $0x2000, $0x38;
	[tilespmem:$0x10100] =	vst v63  }
0x2d: {  	v2 =	vld.msk [tilespmem:$0x8], $0xff;
	_ =	sdelay $0x4  }
0x2e: {  	v3 =	vshll.u32 v2, $0x3  }
0x2f: {  	v2 =	vand.u32 $0x7, v2;
	v3 =	vand.u32 $0xFFFFFFC0, v3  }
0x30: {  	v2 =	vor.u32 v2, v3  }
0x31: {  	v2 =	vperm.xlane v2, v0;
	_ =	sdelay $0x1  }
0x32: {  	v2 =	vadd.s32 v1, v2;
	_ =	sdelay $0x3  }
0x33: {  	s17 =	simm.s32 $0xA100  }
0x34: {  	[tilespmem:s17], [sflag:$0x6] =	stream.indirect_vreg.gather [hbm4b:s2+s5], $0x80, v2, vm0, $0xb8;
	[tilespmem:$0x10100] =	vst v63  }
0x35: {  	s20 =	simm.s32 $0xA900  }
0x36: {  	[tilespmem:s20], [sflag:$0x6] =	stream.indirect_vreg.gather [hbm4b:s11+s5], $0x80, v2, vm0, $0xb8;
	[tilespmem:$0x10100] =	vst v63  }
0x37: {  	s21 =	simm.s32 $0xB100  }
0x38: {  	[tilespmem:s21], [sflag:$0x6] =	stream.indirect_vreg.gather [hbm4b:s12+s5], $0x80, v2, vm0, $0xb8;
	[tilespmem:$0x10100] =	vst v63  }
0x39: {  	s28 =	simm.s32 $0xB900  }
0x3a: {  	[tilespmem:s28], [sflag:$0x6] =	stream.indirect_vreg.gather [hbm4b:s13+s5], $0x80, v2, vm0, $0xb8;
	[tilespmem:$0x10100] =	vst v63  }
0x3b: {  	s29 =	rddreg [dreg:$0x8]  }
0x3c: {  	[tilespmem:s0], [sflag:$0x3] =	stream.linear.gather [hbm4b:s29+s5], $0x2000, $0x38;
	[tilespmem:$0x10100] =	vst v63  }
0x3d: {  	v2 =	vld.msk [tilespmem:$0x10], $0xff;
	_ =	sdelay $0x4  }
0x3e: {  	v3 =	vshll.u32 v2, $0x3  }
0x3f: {  	v2 =	vand.u32 $0x7, v2;
	v3 =	vand.u32 $0xFFFFFFC0, v3  }
0x40: {  	v2 =	vor.u32 v2, v3  }
0x41: {  	v2 =	vperm.xlane v2, v0;
	_ =	sdelay $0x1  }
0x42: {  	v2 =	vadd.s32 v1, v2;
	_ =	sdelay $0x3  }
0x43: {  	s10 =	simm.s32 $0xC100  }
0x44: {  	[tilespmem:s10], [sflag:$0x7] =	stream.indirect_vreg.gather [hbm4b:s2+s5], $0x80, v2, vm0, $0xb8;
	[tilespmem:$0x10100] =	vst v63  }
0x45: {  	s14 =	simm.s32 $0xC900  }
0x46: {  	[tilespmem:s14], [sflag:$0x7] =	stream.indirect_vreg.gather [hbm4b:s11+s5], $0x80, v2, vm0, $0xb8;
	[tilespmem:$0x10100] =	vst v63  }
0x47: {  	s15 =	simm.s32 $0xD100  }
0x48: {  	[tilespmem:s15], [sflag:$0x7] =	stream.indirect_vreg.gather [hbm4b:s12+s5], $0x80, v2, vm0, $0xb8;
	[tilespmem:$0x10100] =	vst v63  }
0x49: {  	s16 =	simm.s32 $0xD900  }
0x4a: {  	[tilespmem:s16], [sflag:$0x7] =	stream.indirect_vreg.gather [hbm4b:s13+s5], $0x80, v2, vm0, $0xb8;
	[tilespmem:$0x10100] =	vst v63  }
0x4b: {  	s17 =	rddreg [dreg:$0x9]  }
0x4c: {  	[tilespmem:s23], [sflag:$0x4] =	stream.linear.gather [hbm4b:s17+s5], $0x2000, $0x38;
	[tilespmem:$0x10100] =	vst v63  }
0x4d: {  	v2 =	vld.msk [tilespmem:$0x18], $0xff;
	_ =	sdelay $0x4  }
0x4e: {  	v3 =	vshll.u32 v2, $0x3  }
0x4f: {  	v2 =	vand.u32 $0x7, v2;
	v3 =	vand.u32 $0xFFFFFFC0, v3  }
0x50: {  	v2 =	vor.u32 v2, v3  }
0x51: {  	v2 =	vperm.xlane v2, v0;
	_ =	sdelay $0x1  }
0x52: {  	v2 =	vadd.s32 v1, v2;
	_ =	sdelay $0x3  }
0x53: {  	s20 =	simm.s32 $0xE100  }
0x54: {  	[tilespmem:s20], [sflag:$0x8] =	stream.indirect_vreg.gather [hbm4b:s2+s5], $0x80, v2, vm0, $0xb8;
	[tilespmem:$0x10100] =	vst v63  }
0x55: {  	s21 =	simm.s32 $0xE900  }
0x56: {  	[tilespmem:s21], [sflag:$0x8] =	stream.indirect_vreg.gather [hbm4b:s11+s5], $0x80, v2, vm0, $0xb8;
	[tilespmem:$0x10100] =	vst v63  }
0x57: {  	s28 =	simm.s32 $0xF100  }
0x58: {  	[tilespmem:s28], [sflag:$0x8] =	stream.indirect_vreg.gather [hbm4b:s12+s5], $0x80, v2, vm0, $0xb8;
	[tilespmem:$0x10100] =	vst v63  }
0x59: {  	s29 =	simm.s32 $0xF900;
	s16 =	simm.s32 $0x0  }
0x5a: {  	[tilespmem:s29], [sflag:$0x8] =	stream.indirect_vreg.gather [hbm4b:s13+s5], $0x80, v2, vm0, $0xb8;
	[tilespmem:$0x10100] =	vst v63  }
.LBB2_2:
0x5b: {  	s17 =	sshll.u32 s16, $0x2  }
0x5c: {  	s9 =	sadd.s32 $0xFFFFFFFC, s17  }
0x5d: {  	p0 =	sgt.u32 s9, $0x1B  }
0x5e: {  	s9 =	sshll.u32 @!p0 s16, $0x5  }
0x5f: {  	s9 =	sor.u32 @!p0 $0x18, s9  }
0x60: {  	s10 =	simm.s32 @!p0 $0xC;
	s20 =	sadd.s32 @!p0 s7, s9  }
0x61: {  	_ =	swait.ge @!p0 [sflag:s10], $0x2000;
	s20 =	sshll.u32 @!p0 s20, $0xA  }
0x62: {  	[sflag:s10] =	ssyncset.done @!p0 $0x0;
	s20 =	sadd.s32 @!p0 s6, s20  }
0x63: {  	[sflag:s10] =	ssyncadd.s32 @!p0 $0xFFFFE000;
	s10 =	sshrl.u32 @!p0 s20, $0x3  }
0x64: {  	s28 =	simm.s32 @!p0 $0x6100;
	s20 =	simm.s32 @!p0 $0x0;
	s10 =	sadd.s32 @!p0 s1, s10  }
0x65: {  	[tilespmem:s28], [sflag:$0x4] =	stream.linear.gather @!p0 [hbm4b:s10+s20], $0x2000, $0x38;
	[tilespmem:$0x10100] =	vst v63  }
0x66: {  	v2 =	vld.msk @!p0 [tilespmem:s9+$0x0], $0xff;
	_ =	sdelay $0x4  }
0x67: {  	v3 =	vshll.u32 @!p0 v2, $0x3  }
0x68: {  	v4 =	vlaneseq.u32 @!p0;
	v2 =	vand.u32 @!p0 $0x7, v2;
	v3 =	vand.u32 @!p0 $0xFFFFFFC0, v3  }
0x69: {  	v2 =	vor.u32 @!p0 v2, v3;
	v3 =	vand.u32 @!p0 $0x7, v4;
	v4 =	vshrl.u32 @!p0 v4, $0x3  }
0x6a: {  	v2 =	vperm.xlane @!p0 v2, v3;
	v3 =	vmul.u32 @!p0 $0x8, v4;
	_ =	sdelay $0x1  }
0x6b: {  	v2 =	vadd.s32 @!p0 v3, v2;
	_ =	sdelay $0x3  }
0x6c: {  	vm1 =	vmmov @!p0 $0xffff;
	s9 =	simm.s32 @!p0 $0xE100  }
0x6d: {  	[tilespmem:s9], [sflag:$0x8] =	stream.indirect_vreg.gather @!p0 [hbm4b:s2+s20], $0x80, v2, vm1, $0xb8;
	[tilespmem:$0x10100] =	vst v63  }
0x6e: {  	s9 =	simm.s32 @!p0 $0xE900  }
0x6f: {  	[tilespmem:s9], [sflag:$0x8] =	stream.indirect_vreg.gather @!p0 [hbm4b:s11+s20], $0x80, v2, vm1, $0xb8;
	[tilespmem:$0x10100] =	vst v63  }
0x70: {  	s9 =	simm.s32 @!p0 $0xF100  }
0x71: {  	[tilespmem:s9], [sflag:$0x8] =	stream.indirect_vreg.gather @!p0 [hbm4b:s12+s20], $0x80, v2, vm1, $0xb8;
	[tilespmem:$0x10100] =	vst v63  }
0x72: {  	s9 =	simm.s32 @!p0 $0xF900  }
0x73: {  	[tilespmem:s9], [sflag:$0x8] =	stream.indirect_vreg.gather @!p0 [hbm4b:s13+s20], $0x80, v2, vm1, $0xb8;
	[tilespmem:$0x10100] =	vst v63  }
0x74: {  	_ =	swait.ge [sflag:s30], $0x2000  }
0x75: {  	[sflag:s30] =	ssyncset.done $0x0  }
0x76: {  	s10 =	simm.s32 $0x0;
	[sflag:s30] =	ssyncadd.s32 $0xFFFFE000  }
0x77: {  	s15 =	sand.u32 $0x1C00, s10;
	_ =	swait.ge [sflag:s31], $0x2000  }
0x78: {  	s21 =	sor.u32 s15, s10;
	[sflag:s31] =	ssyncset.done $0x0  }
0x79: {  	s28 =	sand.u32 $0x380, s10;
	s29 =	sor.u32 $0x70, s21;
	[sflag:s31] =	ssyncadd.s32 $0xFFFFE000  }
0x7a: {  	s20 =	sor.u32 s28, s15;
	v2 =	vld [tilespmem:s29+$0x8100]  }
0x7b: {  	v5 =	vld [tilespmem:s20+$0x8100]  }
0x7c: {  	v6 =	vld [tilespmem:s20+$0x8110]  }
0x7d: {  	v7 =	vld [tilespmem:s20+$0x8120]  }
0x7e: {  	v8 =	vld [tilespmem:s20+$0x8130]  }
0x7f: {  	v4 =	vld [tilespmem:s20+$0x8140]  }
0x80: {  	v3 =	vld [tilespmem:s20+$0x8150]  }
0x81: {  	[tilespmem:s29+$0x100] =	vst.add.f32.msk $0xffff, v2  }
0x82: {  	v2 =	vld [tilespmem:s20+$0x8160]  }
0x83: {  	[tilespmem:s20+$0x100] =	vst.add.f32.msk $0xffff, v5  }
0x84: {  	[tilespmem:s20+$0x110] =	vst.add.f32.msk $0xffff, v6  }
0x85: {  	[tilespmem:s20+$0x120] =	vst.add.f32.msk $0xffff, v7  }
0x86: {  	s28 =	simm.s32 $0x0;
	[tilespmem:s20+$0x130] =	vst.add.f32.msk $0xffff, v8;
	s29 =	simm.s32 $0x400  }
.LBB2_3:
0x87: {  	s9 =	sand.u32 $0x1C00, s29;
	s28 =	sadd.s32 $0x8, s28;
	[tilespmem:s20+$0x140] =	vst.add.f32.msk $0xffff, v4;
	s10 =	sadd.s32 $0x10, s10  }
0x88: {  	s14 =	sand.u32 $0x380, s10;
	s15 =	sor.u32 s9, s10;
	p0 =	slt.u32 s28, $0x1F8;
	[tilespmem:s20+$0x150] =	vst.add.f32.msk $0xffff, v3  }
0x89: {  	s15 =	sor.u32 $0x70, s15;
	[tilespmem:s20+$0x160] =	vst.add.f32.msk $0xffff, v2;
	s20 =	sor.u32 s14, s9  }
0x8a: {  	v2 =	vld [tilespmem:s15+$0x8100]  }
0x8b: {  	v5 =	vld [tilespmem:s20+$0x8100]  }
0x8c: {  	v6 =	vld [tilespmem:s20+$0x8110]  }
0x8d: {  	v7 =	vld [tilespmem:s20+$0x8120]  }
0x8e: {  	v8 =	vld [tilespmem:s20+$0x8130]  }
0x8f: {  	[tilespmem:s15+$0x100] =	vst.add.f32.msk $0xffff, v2  }
0x90: {  	v4 =	vld [tilespmem:s20+$0x8140]  }
0x91: {  	v3 =	vld [tilespmem:s20+$0x8150]  }
.Ltmp0:
0x92: {  	v2 =	vld [tilespmem:s20+$0x8160];
	(pc) =	sbr.rel @p0 .LBB2_3-.Ltmp0, $4  }
0x93: {  	[tilespmem:s20+$0x100] =	vst.add.f32.msk $0xffff, v5  }
0x94: {  	[tilespmem:s20+$0x110] =	vst.add.f32.msk $0xffff, v6  }
0x95: {  	[tilespmem:s20+$0x120] =	vst.add.f32.msk $0xffff, v7  }
0x96: {  	s29 =	sadd.s32 $0x400, s29;
	[tilespmem:s20+$0x130] =	vst.add.f32.msk $0xffff, v8  }
0x97: {  	s9 =	sshll.u32 s16, $0xF  }
0x98: {  	[tilespmem:s20+$0x140] =	vst.add.f32.msk $0xffff, v4;
	s9 =	sadd.s32 s8, s9  }
0x99: {  	[tilespmem:s20+$0x150] =	vst.add.f32.msk $0xffff, v3;
	s9 =	sshrl.u32 s9, $0x3  }
0x9a: {  	[tilespmem:s20+$0x160] =	vst.add.f32.msk $0xffff, v2;
	s10 =	simm.s32 $0x100;
	s9 =	sadd.s32 s4, s9  }
0x9b: {  	[hbm4b:s9+s5] =	stream.linear.scatter [tilespmem:s10], [sflag:$0x9], $0x2000, $0x38;
	[tilespmem:$0x10100] =	vst v63  }
0x9c: {  	s10 =	sor.u32 $0x1, s17  }
0x9d: {  	p0 =	sgt.u32 s10, $0x1C  }
0x9e: {  	s9 =	sshll.u32 @!p0 s16, $0x5  }
0x9f: {  	s14 =	sadd.s32 @!p0 $0x20, s9  }
0xa0: {  	s14 =	sadd.s32 @!p0 s7, s14  }
0xa1: {  	s15 =	simm.s32 @!p0 $0x9;
	s14 =	sshll.u32 @!p0 s14, $0xA  }
0xa2: {  	_ =	swait.ge @!p0 [sflag:s15], $0x2000;
	s14 =	sadd.s32 @!p0 s6, s14  }
0xa3: {  	s20 =	simm.s32 @!p0 $0x100;
	[sflag:s15] =	ssyncset.done @!p0 $0x0;
	s14 =	sshrl.u32 @!p0 s14, $0x3  }
0xa4: {  	[sflag:s15] =	ssyncadd.s32 @!p0 $0xFFFFE000;
	s15 =	simm.s32 @!p0 $0x0;
	s14 =	sadd.s32 @!p0 s1, s14  }
0xa5: {  	[tilespmem:s20], [sflag:$0x1] =	stream.linear.gather @!p0 [hbm4b:s14+s15], $0x2000, $0x38;
	[tilespmem:$0x10100] =	vst v63  }
0xa6: {  	v2 =	vld.msk @!p0 [tilespmem:s9+$0x20], $0xff;
	_ =	sdelay $0x4  }
0xa7: {  	v3 =	vshll.u32 @!p0 v2, $0x3  }
0xa8: {  	v4 =	vlaneseq.u32 @!p0;
	v2 =	vand.u32 @!p0 $0x7, v2;
	v3 =	vand.u32 @!p0 $0xFFFFFFC0, v3  }
0xa9: {  	v2 =	vor.u32 @!p0 v2, v3;
	v3 =	vand.u32 @!p0 $0x7, v4;
	v4 =	vshrl.u32 @!p0 v4, $0x3  }
0xaa: {  	v2 =	vperm.xlane @!p0 v2, v3;
	v3 =	vmul.u32 @!p0 $0x8, v4;
	_ =	sdelay $0x1  }
0xab: {  	v2 =	vadd.s32 @!p0 v3, v2;
	_ =	sdelay $0x3  }
0xac: {  	vm1 =	vmmov @!p0 $0xffff;
	s9 =	simm.s32 @!p0 $0x8100  }
0xad: {  	[tilespmem:s9], [sflag:$0x5] =	stream.indirect_vreg.gather @!p0 [hbm4b:s2+s15], $0x80, v2, vm1, $0xb8;
	[tilespmem:$0x10100] =	vst v63  }
0xae: {  	s9 =	simm.s32 @!p0 $0x8900  }
0xaf: {  	[tilespmem:s9], [sflag:$0x5] =	stream.indirect_vreg.gather @!p0 [hbm4b:s11+s15], $0x80, v2, vm1, $0xb8;
	[tilespmem:$0x10100] =	vst v63  }
0xb0: {  	s9 =	simm.s32 @!p0 $0x9100  }
0xb1: {  	[tilespmem:s9], [sflag:$0x5] =	stream.indirect_vreg.gather @!p0 [hbm4b:s12+s15], $0x80, v2, vm1, $0xb8;
	[tilespmem:$0x10100] =	vst v63  }
0xb2: {  	s9 =	simm.s32 @!p0 $0x9900  }
0xb3: {  	[tilespmem:s9], [sflag:$0x5] =	stream.indirect_vreg.gather @!p0 [hbm4b:s13+s15], $0x80, v2, vm1, $0xb8;
	[tilespmem:$0x10100] =	vst v63  }
0xb4: {  	_ =	swait.ge [sflag:s3], $0x2000  }
0xb5: {  	[sflag:s3] =	ssyncset.done $0x0  }
0xb6: {  	s20 =	simm.s32 $0x0;
	[sflag:s3] =	ssyncadd.s32 $0xFFFFE000  }
0xb7: {  	s9 =	sand.u32 $0x1C00, s20;
	_ =	swait.ge [sflag:s18], $0x2000  }
0xb8: {  	s15 =	sor.u32 s9, s20;
	[sflag:s18] =	ssyncset.done $0x0  }
0xb9: {  	s21 =	sand.u32 $0x380, s20;
	s14 =	sor.u32 $0x70, s15;
	[sflag:s18] =	ssyncadd.s32 $0xFFFFE000  }
0xba: {  	s28 =	sor.u32 s21, s9;
	v2 =	vld [tilespmem:s14+$0xA100]  }
0xbb: {  	v5 =	vld [tilespmem:s28+$0xA100]  }
0xbc: {  	v6 =	vld [tilespmem:s28+$0xA110]  }
0xbd: {  	v7 =	vld [tilespmem:s28+$0xA120]  }
0xbe: {  	v8 =	vld [tilespmem:s28+$0xA130]  }
0xbf: {  	v4 =	vld [tilespmem:s28+$0xA140]  }
0xc0: {  	v3 =	vld [tilespmem:s28+$0xA150]  }
0xc1: {  	[tilespmem:s14+$0x2100] =	vst.add.f32.msk $0xffff, v2  }
0xc2: {  	v2 =	vld [tilespmem:s28+$0xA160]  }
0xc3: {  	[tilespmem:s28+$0x2100] =	vst.add.f32.msk $0xffff, v5  }
0xc4: {  	[tilespmem:s28+$0x2110] =	vst.add.f32.msk $0xffff, v6  }
0xc5: {  	[tilespmem:s28+$0x2120] =	vst.add.f32.msk $0xffff, v7  }
0xc6: {  	s29 =	simm.s32 $0x0;
	s9 =	simm.s32 $0x400;
	[tilespmem:s28+$0x2130] =	vst.add.f32.msk $0xffff, v8  }
.LBB2_5:
0xc7: {  	s14 =	sand.u32 $0x1C00, s9;
	s29 =	sadd.s32 $0x8, s29;
	[tilespmem:s28+$0x2140] =	vst.add.f32.msk $0xffff, v4;
	s20 =	sadd.s32 $0x10, s20  }
0xc8: {  	s15 =	sand.u32 $0x380, s20;
	s21 =	sor.u32 s14, s20;
	p0 =	slt.u32 s29, $0x1F8;
	[tilespmem:s28+$0x2150] =	vst.add.f32.msk $0xffff, v3  }
0xc9: {  	s21 =	sor.u32 $0x70, s21;
	[tilespmem:s28+$0x2160] =	vst.add.f32.msk $0xffff, v2;
	s28 =	sor.u32 s15, s14  }
0xca: {  	v2 =	vld [tilespmem:s21+$0xA100]  }
0xcb: {  	v5 =	vld [tilespmem:s28+$0xA100]  }
0xcc: {  	v6 =	vld [tilespmem:s28+$0xA110]  }
0xcd: {  	v7 =	vld [tilespmem:s28+$0xA120]  }
0xce: {  	v8 =	vld [tilespmem:s28+$0xA130]  }
0xcf: {  	[tilespmem:s21+$0x2100] =	vst.add.f32.msk $0xffff, v2  }
0xd0: {  	v4 =	vld [tilespmem:s28+$0xA140]  }
0xd1: {  	v3 =	vld [tilespmem:s28+$0xA150]  }
.Ltmp1:
0xd2: {  	v2 =	vld [tilespmem:s28+$0xA160];
	(pc) =	sbr.rel @p0 .LBB2_5-.Ltmp1, $4  }
0xd3: {  	[tilespmem:s28+$0x2100] =	vst.add.f32.msk $0xffff, v5  }
0xd4: {  	[tilespmem:s28+$0x2110] =	vst.add.f32.msk $0xffff, v6  }
0xd5: {  	[tilespmem:s28+$0x2120] =	vst.add.f32.msk $0xffff, v7  }
0xd6: {  	s9 =	sadd.s32 $0x400, s9;
	[tilespmem:s28+$0x2130] =	vst.add.f32.msk $0xffff, v8  }
0xd7: {  	s9 =	sshll.u32 s10, $0xD  }
0xd8: {  	[tilespmem:s28+$0x2140] =	vst.add.f32.msk $0xffff, v4;
	s9 =	sadd.s32 s8, s9  }
0xd9: {  	[tilespmem:s28+$0x2150] =	vst.add.f32.msk $0xffff, v3;
	s10 =	sor.u32 $0x2, s17;
	s9 =	sshrl.u32 s9, $0x3  }
0xda: {  	[tilespmem:s28+$0x2160] =	vst.add.f32.msk $0xffff, v2;
	p0 =	sgt.u32 s10, $0x1C;
	s9 =	sadd.s32 s4, s9  }
0xdb: {  	[hbm4b:s9+s5] =	stream.linear.scatter [tilespmem:s26], [sflag:$0xA], $0x2000, $0x38;
	[tilespmem:$0x10100] =	vst v63  }
0xdc: {  	s9 =	sshll.u32 @!p0 s16, $0x5  }
0xdd: {  	s14 =	sadd.s32 @!p0 $0x28, s9  }
0xde: {  	s14 =	sadd.s32 @!p0 s7, s14  }
0xdf: {  	s15 =	simm.s32 @!p0 $0xA;
	s14 =	sshll.u32 @!p0 s14, $0xA  }
0xe0: {  	_ =	swait.ge @!p0 [sflag:s15], $0x2000;
	s14 =	sadd.s32 @!p0 s6, s14  }
0xe1: {  	s20 =	simm.s32 @!p0 $0x2100;
	[sflag:s15] =	ssyncset.done @!p0 $0x0;
	s14 =	sshrl.u32 @!p0 s14, $0x3  }
0xe2: {  	[sflag:s15] =	ssyncadd.s32 @!p0 $0xFFFFE000;
	s15 =	simm.s32 @!p0 $0x0;
	s14 =	sadd.s32 @!p0 s1, s14  }
0xe3: {  	[tilespmem:s20], [sflag:$0x2] =	stream.linear.gather @!p0 [hbm4b:s14+s15], $0x2000, $0x38;
	[tilespmem:$0x10100] =	vst v63  }
0xe4: {  	v2 =	vld.msk @!p0 [tilespmem:s9+$0x28], $0xff;
	_ =	sdelay $0x4  }
0xe5: {  	v3 =	vshll.u32 @!p0 v2, $0x3  }
0xe6: {  	v4 =	vlaneseq.u32 @!p0;
	v2 =	vand.u32 @!p0 $0x7, v2;
	v3 =	vand.u32 @!p0 $0xFFFFFFC0, v3  }
0xe7: {  	v2 =	vor.u32 @!p0 v2, v3;
	v3 =	vand.u32 @!p0 $0x7, v4;
	v4 =	vshrl.u32 @!p0 v4, $0x3  }
0xe8: {  	v2 =	vperm.xlane @!p0 v2, v3;
	v3 =	vmul.u32 @!p0 $0x8, v4;
	_ =	sdelay $0x1  }
0xe9: {  	v2 =	vadd.s32 @!p0 v3, v2;
	_ =	sdelay $0x3  }
0xea: {  	vm1 =	vmmov @!p0 $0xffff;
	s9 =	simm.s32 @!p0 $0xA100  }
0xeb: {  	[tilespmem:s9], [sflag:$0x6] =	stream.indirect_vreg.gather @!p0 [hbm4b:s2+s15], $0x80, v2, vm1, $0xb8;
	[tilespmem:$0x10100] =	vst v63  }
0xec: {  	s9 =	simm.s32 @!p0 $0xA900  }
0xed: {  	[tilespmem:s9], [sflag:$0x6] =	stream.indirect_vreg.gather @!p0 [hbm4b:s11+s15], $0x80, v2, vm1, $0xb8;
	[tilespmem:$0x10100] =	vst v63  }
0xee: {  	s9 =	simm.s32 @!p0 $0xB100  }
0xef: {  	[tilespmem:s9], [sflag:$0x6] =	stream.indirect_vreg.gather @!p0 [hbm4b:s12+s15], $0x80, v2, vm1, $0xb8;
	[tilespmem:$0x10100] =	vst v63  }
0xf0: {  	s9 =	simm.s32 @!p0 $0xB900  }
0xf1: {  	[tilespmem:s9], [sflag:$0x6] =	stream.indirect_vreg.gather @!p0 [hbm4b:s13+s15], $0x80, v2, vm1, $0xb8;
	[tilespmem:$0x10100] =	vst v63  }
0xf2: {  	_ =	swait.ge [sflag:s19], $0x2000  }
0xf3: {  	[sflag:s19] =	ssyncset.done $0x0  }
0xf4: {  	s20 =	simm.s32 $0x0;
	[sflag:s19] =	ssyncadd.s32 $0xFFFFE000  }
0xf5: {  	s9 =	sand.u32 $0x1C00, s20;
	_ =	swait.ge [sflag:s22], $0x2000  }
0xf6: {  	s15 =	sor.u32 s9, s20;
	[sflag:s22] =	ssyncset.done $0x0  }
0xf7: {  	s21 =	sand.u32 $0x380, s20;
	s14 =	sor.u32 $0x70, s15;
	[sflag:s22] =	ssyncadd.s32 $0xFFFFE000  }
0xf8: {  	s28 =	sor.u32 s21, s9;
	v2 =	vld [tilespmem:s14+$0xC100]  }
0xf9: {  	v5 =	vld [tilespmem:s28+$0xC100]  }
0xfa: {  	v6 =	vld [tilespmem:s28+$0xC110]  }
0xfb: {  	v7 =	vld [tilespmem:s28+$0xC120]  }
0xfc: {  	v8 =	vld [tilespmem:s28+$0xC130]  }
0xfd: {  	v4 =	vld [tilespmem:s28+$0xC140]  }
0xfe: {  	v3 =	vld [tilespmem:s28+$0xC150]  }
0xff: {  	[tilespmem:s14+$0x4100] =	vst.add.f32.msk $0xffff, v2  }
0x100: {  	v2 =	vld [tilespmem:s28+$0xC160]  }
0x101: {  	[tilespmem:s28+$0x4100] =	vst.add.f32.msk $0xffff, v5  }
0x102: {  	[tilespmem:s28+$0x4110] =	vst.add.f32.msk $0xffff, v6  }
0x103: {  	[tilespmem:s28+$0x4120] =	vst.add.f32.msk $0xffff, v7  }
0x104: {  	s29 =	simm.s32 $0x0;
	s9 =	simm.s32 $0x400;
	[tilespmem:s28+$0x4130] =	vst.add.f32.msk $0xffff, v8  }
.LBB2_7:
0x105: {  	s14 =	sand.u32 $0x1C00, s9;
	s29 =	sadd.s32 $0x8, s29;
	[tilespmem:s28+$0x4140] =	vst.add.f32.msk $0xffff, v4;
	s20 =	sadd.s32 $0x10, s20  }
0x106: {  	s15 =	sand.u32 $0x380, s20;
	s21 =	sor.u32 s14, s20;
	p0 =	slt.u32 s29, $0x1F8;
	[tilespmem:s28+$0x4150] =	vst.add.f32.msk $0xffff, v3  }
0x107: {  	s21 =	sor.u32 $0x70, s21;
	[tilespmem:s28+$0x4160] =	vst.add.f32.msk $0xffff, v2;
	s28 =	sor.u32 s15, s14  }
0x108: {  	v2 =	vld [tilespmem:s21+$0xC100]  }
0x109: {  	v5 =	vld [tilespmem:s28+$0xC100]  }
0x10a: {  	v6 =	vld [tilespmem:s28+$0xC110]  }
0x10b: {  	v7 =	vld [tilespmem:s28+$0xC120]  }
0x10c: {  	v8 =	vld [tilespmem:s28+$0xC130]  }
0x10d: {  	[tilespmem:s21+$0x4100] =	vst.add.f32.msk $0xffff, v2  }
0x10e: {  	v4 =	vld [tilespmem:s28+$0xC140]  }
0x10f: {  	v3 =	vld [tilespmem:s28+$0xC150]  }
.Ltmp2:
0x110: {  	v2 =	vld [tilespmem:s28+$0xC160];
	(pc) =	sbr.rel @p0 .LBB2_7-.Ltmp2, $4  }
0x111: {  	[tilespmem:s28+$0x4100] =	vst.add.f32.msk $0xffff, v5  }
0x112: {  	[tilespmem:s28+$0x4110] =	vst.add.f32.msk $0xffff, v6  }
0x113: {  	[tilespmem:s28+$0x4120] =	vst.add.f32.msk $0xffff, v7  }
0x114: {  	s9 =	sadd.s32 $0x400, s9;
	[tilespmem:s28+$0x4130] =	vst.add.f32.msk $0xffff, v8  }
0x115: {  	s9 =	sshll.u32 s10, $0xD  }
0x116: {  	[tilespmem:s28+$0x4140] =	vst.add.f32.msk $0xffff, v4;
	s9 =	sadd.s32 s8, s9  }
0x117: {  	[tilespmem:s28+$0x4150] =	vst.add.f32.msk $0xffff, v3;
	s10 =	sor.u32 $0x3, s17;
	s9 =	sshrl.u32 s9, $0x3  }
0x118: {  	[tilespmem:s28+$0x4160] =	vst.add.f32.msk $0xffff, v2;
	p0 =	sgt.u32 s10, $0x1C;
	s9 =	sadd.s32 s4, s9  }
0x119: {  	[hbm4b:s9+s5] =	stream.linear.scatter [tilespmem:s0], [sflag:$0xB], $0x2000, $0x38;
	[tilespmem:$0x10100] =	vst v63  }
0x11a: {  	s9 =	sshll.u32 @!p0 s16, $0x5  }
0x11b: {  	s14 =	sadd.s32 @!p0 $0x30, s9  }
0x11c: {  	s14 =	sadd.s32 @!p0 s7, s14  }
0x11d: {  	s15 =	simm.s32 @!p0 $0xB;
	s14 =	sshll.u32 @!p0 s14, $0xA  }
0x11e: {  	_ =	swait.ge @!p0 [sflag:s15], $0x2000;
	s14 =	sadd.s32 @!p0 s6, s14  }
0x11f: {  	s17 =	simm.s32 @!p0 $0x4100;
	[sflag:s15] =	ssyncset.done @!p0 $0x0;
	s14 =	sshrl.u32 @!p0 s14, $0x3  }
0x120: {  	[sflag:s15] =	ssyncadd.s32 @!p0 $0xFFFFE000;
	s15 =	simm.s32 @!p0 $0x0;
	s14 =	sadd.s32 @!p0 s1, s14  }
0x121: {  	[tilespmem:s17], [sflag:$0x3] =	stream.linear.gather @!p0 [hbm4b:s14+s15], $0x2000, $0x38;
	[tilespmem:$0x10100] =	vst v63  }
0x122: {  	v2 =	vld.msk @!p0 [tilespmem:s9+$0x30], $0xff;
	_ =	sdelay $0x4  }
0x123: {  	v3 =	vshll.u32 @!p0 v2, $0x3  }
0x124: {  	v4 =	vlaneseq.u32 @!p0;
	v2 =	vand.u32 @!p0 $0x7, v2;
	v3 =	vand.u32 @!p0 $0xFFFFFFC0, v3  }
0x125: {  	v2 =	vor.u32 @!p0 v2, v3;
	v3 =	vand.u32 @!p0 $0x7, v4;
	v4 =	vshrl.u32 @!p0 v4, $0x3  }
0x126: {  	v2 =	vperm.xlane @!p0 v2, v3;
	v3 =	vmul.u32 @!p0 $0x8, v4;
	_ =	sdelay $0x1  }
0x127: {  	v2 =	vadd.s32 @!p0 v3, v2;
	_ =	sdelay $0x3  }
0x128: {  	vm1 =	vmmov @!p0 $0xffff;
	s9 =	simm.s32 @!p0 $0xC100  }
0x129: {  	[tilespmem:s9], [sflag:$0x7] =	stream.indirect_vreg.gather @!p0 [hbm4b:s2+s15], $0x80, v2, vm1, $0xb8;
	[tilespmem:$0x10100] =	vst v63  }
0x12a: {  	s9 =	simm.s32 @!p0 $0xC900  }
0x12b: {  	[tilespmem:s9], [sflag:$0x7] =	stream.indirect_vreg.gather @!p0 [hbm4b:s11+s15], $0x80, v2, vm1, $0xb8;
	[tilespmem:$0x10100] =	vst v63  }
0x12c: {  	s9 =	simm.s32 @!p0 $0xD100  }
0x12d: {  	[tilespmem:s9], [sflag:$0x7] =	stream.indirect_vreg.gather @!p0 [hbm4b:s12+s15], $0x80, v2, vm1, $0xb8;
	[tilespmem:$0x10100] =	vst v63  }
0x12e: {  	s9 =	simm.s32 @!p0 $0xD900  }
0x12f: {  	[tilespmem:s9], [sflag:$0x7] =	stream.indirect_vreg.gather @!p0 [hbm4b:s13+s15], $0x80, v2, vm1, $0xb8;
	[tilespmem:$0x10100] =	vst v63  }
0x130: {  	_ =	swait.ge [sflag:s24], $0x2000  }
0x131: {  	[sflag:s24] =	ssyncset.done $0x0  }
0x132: {  	s17 =	simm.s32 $0x0;
	[sflag:s24] =	ssyncadd.s32 $0xFFFFE000  }
0x133: {  	s20 =	sand.u32 $0x1C00, s17;
	_ =	swait.ge [sflag:s25], $0x2000  }
0x134: {  	s21 =	sor.u32 s20, s17;
	[sflag:s25] =	ssyncset.done $0x0  }
0x135: {  	s29 =	sand.u32 $0x380, s17;
	s14 =	sor.u32 $0x70, s21;
	[sflag:s25] =	ssyncadd.s32 $0xFFFFE000  }
0x136: {  	s20 =	sor.u32 s29, s20;
	v2 =	vld [tilespmem:s14+$0xE100]  }
0x137: {  	v5 =	vld [tilespmem:s20+$0xE100]  }
0x138: {  	v6 =	vld [tilespmem:s20+$0xE110]  }
0x139: {  	v7 =	vld [tilespmem:s20+$0xE120]  }
0x13a: {  	v8 =	vld [tilespmem:s20+$0xE130]  }
0x13b: {  	v4 =	vld [tilespmem:s20+$0xE140]  }
0x13c: {  	v3 =	vld [tilespmem:s20+$0xE150]  }
0x13d: {  	[tilespmem:s14+$0x6100] =	vst.add.f32.msk $0xffff, v2  }
0x13e: {  	v2 =	vld [tilespmem:s20+$0xE160]  }
0x13f: {  	[tilespmem:s20+$0x6100] =	vst.add.f32.msk $0xffff, v5  }
0x140: {  	[tilespmem:s20+$0x6110] =	vst.add.f32.msk $0xffff, v6  }
0x141: {  	[tilespmem:s20+$0x6120] =	vst.add.f32.msk $0xffff, v7  }
0x142: {  	s28 =	simm.s32 $0x0;
	s9 =	simm.s32 $0x400;
	[tilespmem:s20+$0x6130] =	vst.add.f32.msk $0xffff, v8  }
.LBB2_9:
0x143: {  	s14 =	sand.u32 $0x1C00, s9;
	s28 =	sadd.s32 $0x8, s28;
	[tilespmem:s20+$0x6140] =	vst.add.f32.msk $0xffff, v4;
	s17 =	sadd.s32 $0x10, s17  }
0x144: {  	s15 =	sand.u32 $0x380, s17;
	s21 =	sor.u32 s14, s17;
	p0 =	slt.u32 s28, $0x1F8;
	[tilespmem:s20+$0x6150] =	vst.add.f32.msk $0xffff, v3  }
0x145: {  	s21 =	sor.u32 $0x70, s21;
	[tilespmem:s20+$0x6160] =	vst.add.f32.msk $0xffff, v2;
	s20 =	sor.u32 s15, s14  }
0x146: {  	v2 =	vld [tilespmem:s21+$0xE100]  }
0x147: {  	v5 =	vld [tilespmem:s20+$0xE100]  }
0x148: {  	v6 =	vld [tilespmem:s20+$0xE110]  }
0x149: {  	v7 =	vld [tilespmem:s20+$0xE120]  }
0x14a: {  	v8 =	vld [tilespmem:s20+$0xE130]  }
0x14b: {  	[tilespmem:s21+$0x6100] =	vst.add.f32.msk $0xffff, v2  }
0x14c: {  	v4 =	vld [tilespmem:s20+$0xE140]  }
0x14d: {  	v3 =	vld [tilespmem:s20+$0xE150]  }
.Ltmp3:
0x14e: {  	v2 =	vld [tilespmem:s20+$0xE160];
	(pc) =	sbr.rel @p0 .LBB2_9-.Ltmp3, $4  }
0x14f: {  	[tilespmem:s20+$0x6100] =	vst.add.f32.msk $0xffff, v5  }
0x150: {  	[tilespmem:s20+$0x6110] =	vst.add.f32.msk $0xffff, v6  }
0x151: {  	[tilespmem:s20+$0x6120] =	vst.add.f32.msk $0xffff, v7  }
0x152: {  	s9 =	sadd.s32 $0x400, s9;
	[tilespmem:s20+$0x6130] =	vst.add.f32.msk $0xffff, v8  }
0x153: {  	s16 =	sadd.s32 $0x1, s16  }
0x154: {  	p0 =	sne.s32 s16, $0x8  }
.Ltmp4:
0x155: {  	s9 =	sshll.u32 s10, $0xD;
	(pc) =	sbr.rel @p0 .LBB2_2-.Ltmp4, $4  }
0x156: {  	[tilespmem:s20+$0x6140] =	vst.add.f32.msk $0xffff, v4;
	s9 =	sadd.s32 s8, s9  }
0x157: {  	[tilespmem:s20+$0x6150] =	vst.add.f32.msk $0xffff, v3;
	s9 =	sshrl.u32 s9, $0x3  }
0x158: {  	[tilespmem:s20+$0x6160] =	vst.add.f32.msk $0xffff, v2;
	s9 =	sadd.s32 s4, s9  }
0x159: {  	[hbm4b:s9+s5] =	stream.linear.scatter [tilespmem:s23], [sflag:$0xC], $0x2000, $0x38;
	[tilespmem:$0x10100] =	vst v63  }
0x15a: {  	s9 =	simm.s32 $0x9  }
0x15b: {  	_ =	swait.ge [sflag:s9], $0x2000  }
0x15c: {  	[sflag:s9] =	ssyncset.done $0x0  }
0x15d: {  	s21 =	simm.s32 $0xA;
	[sflag:s9] =	ssyncadd.s32 $0xFFFFE000  }
0x15e: {  	_ =	swait.ge [sflag:s21], $0x2000  }
0x15f: {  	[sflag:s21] =	ssyncset.done $0x0  }
0x160: {  	s28 =	simm.s32 $0xB;
	[sflag:s21] =	ssyncadd.s32 $0xFFFFE000  }
0x161: {  	_ =	swait.ge [sflag:s28], $0x2000  }
0x162: {  	[sflag:s28] =	ssyncset.done $0x0  }
0x163: {  	s10 =	simm.s32 $0xC;
	[sflag:s28] =	ssyncadd.s32 $0xFFFFE000  }
0x164: {  	_ =	swait.ge [sflag:s10], $0x2000  }
0x165: {  	s14 =	rddreg [dreg:$0xb]  }
0x166: {  	s29 =	rddreg [dreg:$0xa];
	s14 =	sadd.s32 $0x1, s14  }
0x167: {  	p0 =	sne.s32 s14, s29  }
.Ltmp5:
0x168: {  	_ = 	snop;
	(pc) =	sbr.rel @p0 .LBB2_1-.Ltmp5, $3  }
0x169: {  	_ =	sdelay $0x1  }
0x16a: {  	[sflag:s10] =	ssyncset.done $0x0  }
0x16b: {  	[sflag:s10] =	ssyncadd.s32 $0xFFFFE000  }
0x16c: {  	_ =	sfence.sel $0x180000  }
0x16d: {  	[bflag:$0x0] =	sbarrier.arrive $0xFFFF  }
0x16e: {  	_ =	strace $0x90000047  }
0x16f: {  	s0 =	stileid.u32;
	[bflag:$0x2] =	sbarrier.arrive $0xFFFF  }
0x170: {  	p0 =	sne.s32 s0, $0x0;
	s0 =	rddreg [dreg:$0x4]  }
0x171: {  	s0 =	sadd.s32 @!p0 $0x100000, s0  }
0x172: {  	[sflag:s0] =	ssyncadd.tile.s32 @!p0 $0x1;
	_ =	shalt  }
.Lfunc_end2:
_tile_overlayer_lowered:
.L_overlay_start_2:
0x173: {  	(tag) =	ssettag $0x2  }
0x174: {  	s0 =	rddreg [dreg:$0x0];
	s2 =	stileid.u32  }
0x175: {  	s1 =	rddreg [dreg:$0x1];
	p0 =	sne.s32 s2, $0x0  }
0x176: {  	s3 =	rddreg [dreg:$0x2];
	[bflag:$0x3] =	sbarrier.arrive $0xFFFF;
	s2 =	simm.s32 @!p0 $0x1C0D  }
0x177: {  	[timem:s3], [sflag:s2] =	dma.local @!p0 [hbm:s0], s1  }
0x178: {  	s0 =	simm.s32 @!p0 $0xD  }
0x179: {  	_ =	swait.ge @!p0 [sflag:s0], s1  }
0x17a: {  	s1 =	ssub.s32 @!p0 $0x0, s1;
	[sflag:s0] =	ssyncset.done @!p0 $0x0  }
0x17b: {  	[sflag:s0] =	ssyncadd.s32 @!p0 s1  }
0x17c: {  	[bflag:$0x3] =	sbarrier.arrive $0xFFFF  }
0x17d: {  	_ =	shalt  }

</sc_bundles>
